<compile_context>
chip_gen: v7x
topology: tpu7x:2x2x1
jax: 0.10.2.dev20260603
libtpu: 0.0.44.dev20260713+nightly
codegen_flags: <defaults>
</compile_context>

<pallas_src>
import functools

import jax
import jax.numpy as jnp
from jax import lax
from jax.experimental import pallas as pl
from jax.experimental.pallas import tpu as pltpu
from jax.experimental.pallas import tpu_sc as plsc

_CHUNK_ROWS = 32
_CORE0_PER8 = 5


def _make_copy_kernel(seq_len: int, d_model: int):
    info = plsc.get_sparse_core_info()
    nc, ns = info.num_cores, info.num_subcores
    total_chunks = seq_len // _CHUNK_ROWS
    ngroups = total_chunks // 8
    core_chunks = [[], []]
    for grp in range(ngroups):
        for k in range(8):
            core_chunks[0 if k < _CORE0_PER8 else 1].append(grp * 8 + k)
    mesh = plsc.VectorSubcoreMesh(core_axis_name="c", subcore_axis_name="s")

    @functools.partial(
        pl.kernel,
        out_type=jax.ShapeDtypeStruct((seq_len, d_model), jnp.float32),
        mesh=mesh,
        scratch_types=[
            pltpu.VMEM((_CHUNK_ROWS, d_model), jnp.float32),
            pltpu.VMEM((_CHUNK_ROWS, d_model), jnp.float32),
            pltpu.SemaphoreType.DMA,
            pltpu.SemaphoreType.DMA,
            pltpu.SemaphoreType.DMA,
            pltpu.SemaphoreType.DMA,
        ],
    )
    def copy_kernel(table_hbm, out_hbm, buf0, buf1, si0, si1, so0, so1):
        cid = lax.axis_index("c")
        sid = lax.axis_index("s")
        bufs = (buf0, buf1)
        in_sems = (si0, si1)
        out_sems = (so0, so1)

        def run(core, chunks):
            per_w = len(chunks) // ns
            K = _CORE0_PER8 if core == 0 else 8 - _CORE0_PER8
            off = 0 if core == 0 else _CORE0_PER8

            def base_row(j):
                i = sid * per_w + j
                return ((i // K) * 8 + (i % K) + off) * _CHUNK_ROWS

            def chunk_src(j):
                return table_hbm.at[pl.ds(base_row(j), _CHUNK_ROWS)]

            def chunk_dst(j):
                return out_hbm.at[pl.ds(base_row(j), _CHUNK_ROWS)]

            nchunks = per_w
            in_copies = [None] * nchunks
            out_copies = [None] * nchunks
            in_copies[0] = pltpu.async_copy(chunk_src(0), bufs[0], in_sems[0])
            for c in range(nchunks):
                b = c % 2
                in_copies[c].wait()
                out_copies[c] = pltpu.async_copy(bufs[b], chunk_dst(c), out_sems[b])
                if c + 1 < nchunks:
                    if c >= 1:
                        out_copies[c - 1].wait()
                    nb = (c + 1) % 2
                    in_copies[c + 1] = pltpu.async_copy(
                        chunk_src(c + 1), bufs[nb], in_sems[nb]
                    )
            if nchunks >= 2:
                out_copies[nchunks - 2].wait()
            out_copies[nchunks - 1].wait()

        @pl.when(cid == 0)
        def _():
            run(0, core_chunks[0])

        @pl.when(cid == 1)
        def _():
            run(1, core_chunks[1])

    return copy_kernel


def kernel(x, table):
    seq_len = x.shape[1]
    return _make_copy_kernel(seq_len, table.shape[1])(table)

# --- scband reference (transcript-rebuilt; emitter-appended) ---
"""Pipeline reference for scband-sequence-position-embedding-70342974374212 (READ-ONLY COPY).

The authoritative reference and input builder live on the scoring server;
editing this copy changes nothing except your own understanding.
"""

import jax, jax.numpy as jnp
import numpy as np

MAX_SEQ_LEN = 8192
D_MODEL = 1024

def setup_inputs(seed: int = 0) -> dict:
    key = jax.random.key(seed)
    k1, k2 = jax.random.split(key)
    x = jax.random.randint(k1, (4, 4096), 0, MAX_SEQ_LEN, dtype=jnp.int64 if jax.config.jax_enable_x64 else jnp.int32)
    table = jax.random.normal(k2, (MAX_SEQ_LEN, D_MODEL), dtype=jnp.float32)
    return {"x": x, "table": table}

def reference(x, table):
    # forward: embed positions arange(seq_len) using the learned table
    seq_len = x.shape[1]
    pos = jnp.arange(seq_len)
    return jnp.take(table, pos, axis=0)

if __name__ == "__main__":
    import jax
    _d = setup_inputs()
    print(jax.jit(kernel)(*tuple(_d.values())))

</pallas_src>

<mosaic_0001>
#map = affine_map<(d0, d1) -> (0, 0)>
module attributes {stable_mosaic.version = 14 : i64} {
  func.func @copy_kernel(%arg0: i32, %arg1: i32, %arg2: memref<8192x1024xf32, #tpu.memory_space<hbm>>, %arg3: memref<4096x1024xf32, #tpu.memory_space<hbm>>, %arg4: memref<32x1024xf32, #tpu.memory_space<vmem>>, %arg5: memref<32x1024xf32, #tpu.memory_space<vmem>>, %arg6: memref<!tpu.dma_semaphore, #tpu.memory_space<semaphore_mem>>, %arg7: memref<!tpu.dma_semaphore, #tpu.memory_space<semaphore_mem>>, %arg8: memref<!tpu.dma_semaphore, #tpu.memory_space<semaphore_mem>>, %arg9: memref<!tpu.dma_semaphore, #tpu.memory_space<semaphore_mem>>) attributes {dimension_semantics = [#tpu.dimension_semantics<core_parallel>, #tpu.dimension_semantics<subcore_parallel>], iteration_bounds = array<i64: 2, 16>, scalar_prefetch = 0 : i64, scratch_operands = 6 : i64, tpu.core_type = #tpu.core_type<sc_vector_subcore>, window_params = [{transform_indices = #map}, {transform_indices = #map}]} {
    %eq3A = arith.constant 0 : i32
    %eq3A_0 = arith.cmpi eq, %arg0, %eq3A : i32
    %convert_element_type3A = arith.extui %eq3A_0 : i1 to i32
    %cond3A = arith.constant 0 : i32
    %cond3A_1 = arith.cmpi ne, %convert_element_type3A, %cond3A : i32
    scf.if %cond3A_1 {
      %mul3A = arith.constant 5 : i32
      %mul3A_7 = arith.muli %arg1, %mul3A : i32
      %add3A = arith.constant 0 : i32
      %add3A_8 = arith.addi %mul3A_7, %add3A : i32
      %jit3A = arith.constant 5 : i32
      %div3A = arith.divsi %add3A_8, %jit3A : i32
      %sign3A = arith.constant 0 : i32
      %sign3A_9 = arith.cmpi sgt, %add3A_8, %sign3A : i32
      %sign3A_10 = arith.extui %sign3A_9 : i1 to i32
      %sign3A_11 = arith.constant 0 : i32
      %sign3A_12 = arith.cmpi slt, %add3A_8, %sign3A_11 : i32
      %sign3A_13 = arith.extui %sign3A_12 : i1 to i32
      %sign3A_14 = arith.subi %sign3A_10, %sign3A_13 : i32
      %sign3A_15 = arith.constant 0 : i32
      %sign3A_16 = arith.cmpi sgt, %jit3A, %sign3A_15 : i32
      %sign3A_17 = arith.extui %sign3A_16 : i1 to i32
      %sign3A_18 = arith.constant 0 : i32
      %sign3A_19 = arith.cmpi slt, %jit3A, %sign3A_18 : i32
      %sign3A_20 = arith.extui %sign3A_19 : i1 to i32
      %sign3A_21 = arith.subi %sign3A_17, %sign3A_20 : i32
      %ne3A = arith.cmpi ne, %sign3A_14, %sign3A_21 : i32
      %rem3A = arith.remsi %add3A_8, %jit3A : i32
      %ne3A_22 = arith.constant 0 : i32
      %ne3A_23 = arith.cmpi ne, %rem3A, %ne3A_22 : i32
      %and3A = arith.andi %ne3A, %ne3A_23 : i1
      %sub3A = arith.constant 1 : i32
      %sub3A_24 = arith.subi %div3A, %sub3A : i32
      %select_n3A = arith.select %and3A, %sub3A_24, %div3A : i32
      %mul3A_25 = arith.constant 8 : i32
      %mul3A_26 = arith.muli %select_n3A, %mul3A_25 : i32
      %jit3A_27 = arith.constant 5 : i32
      %eq3A_28 = arith.constant 0 : i32
      %eq3A_29 = arith.cmpi eq, %jit3A_27, %eq3A_28 : i32
      %jit3A_30 = arith.constant 1 : i32
      %select_n3A_31 = arith.select %eq3A_29, %jit3A_30, %jit3A_27 : i32
      %rem3A_32 = arith.remsi %add3A_8, %select_n3A_31 : i32
      %ne3A_33 = arith.constant 0 : i32
      %ne3A_34 = arith.cmpi ne, %rem3A_32, %ne3A_33 : i32
      %lt3A = arith.constant 0 : i32
      %lt3A_35 = arith.cmpi slt, %rem3A_32, %lt3A : i32
      %lt3A_36 = arith.constant 0 : i32
      %lt3A_37 = arith.cmpi slt, %select_n3A_31, %lt3A_36 : i32
      %ne3A_38 = arith.xori %lt3A_35, %lt3A_37 : i1
      %and3A_39 = arith.andi %ne3A_38, %ne3A_34 : i1
      %add3A_40 = arith.addi %rem3A_32, %select_n3A_31 : i32
      %select_n3A_41 = arith.select %and3A_39, %add3A_40, %rem3A_32 : i32
      %add3A_42 = arith.addi %mul3A_26, %select_n3A_41 : i32
      %add3A_43 = arith.constant 0 : i32
      %add3A_44 = arith.addi %add3A_42, %add3A_43 : i32
      %mul3A_45 = arith.constant 32 : i32
      %mul3A_46 = arith.muli %add3A_44, %mul3A_45 : i32
      %dma_start3A = arith.constant 0 : i32
      %dma_start3A_47 = tpu.memref_slice %arg2[%mul3A_46, %dma_start3A] : memref<8192x1024xf32, #tpu.memory_space<hbm>> -> memref<32x1024xf32, #tpu.memory_space<hbm>>
      %dma_start3A_48 = arith.constant 0 : i32
      %dma_start3A_49 = tpu.memref_slice %arg2[%mul3A_46, %dma_start3A_48] : memref<8192x1024xf32, #tpu.memory_space<hbm>> -> memref<32x1024xf32, #tpu.memory_space<hbm>>
      tpu.enqueue_dma source(%dma_start3A_49 : memref<32x1024xf32, #tpu.memory_space<hbm>>) target(%arg4 : memref<32x1024xf32, #tpu.memory_space<vmem>>) target_semaphore(%arg6 : memref<!tpu.dma_semaphore, #tpu.memory_space<semaphore_mem>>)
      %dma_wait3A = arith.constant 0 : i32
      %dma_wait3A_50 = tpu.memref_slice %arg2[%mul3A_46, %dma_wait3A] : memref<8192x1024xf32, #tpu.memory_space<hbm>> -> memref<32x1024xf32, #tpu.memory_space<hbm>>
      %dma_wait3A_51 = arith.constant 0 : i32
      %dma_wait3A_52 = tpu.memref_slice %arg2[%mul3A_46, %dma_wait3A_51] : memref<8192x1024xf32, #tpu.memory_space<hbm>> -> memref<32x1024xf32, #tpu.memory_space<hbm>>
      tpu.wait_dma2 semaphore(%arg6 : memref<!tpu.dma_semaphore, #tpu.memory_space<semaphore_mem>>) src(%dma_wait3A_52 : memref<32x1024xf32, #tpu.memory_space<hbm>>) dst(%arg4 : memref<32x1024xf32, #tpu.memory_space<vmem>>)
      %mul3A_53 = arith.constant 5 : i32
      %mul3A_54 = arith.muli %arg1, %mul3A_53 : i32
      %add3A_55 = arith.constant 0 : i32
      %add3A_56 = arith.addi %mul3A_54, %add3A_55 : i32
      %jit3A_57 = arith.constant 5 : i32
      %div3A_58 = arith.divsi %add3A_56, %jit3A_57 : i32
      %sign3A_59 = arith.constant 0 : i32
      %sign3A_60 = arith.cmpi sgt, %add3A_56, %sign3A_59 : i32
      %sign3A_61 = arith.extui %sign3A_60 : i1 to i32
      %sign3A_62 = arith.constant 0 : i32
      %sign3A_63 = arith.cmpi slt, %add3A_56, %sign3A_62 : i32
      %sign3A_64 = arith.extui %sign3A_63 : i1 to i32
      %sign3A_65 = arith.subi %sign3A_61, %sign3A_64 : i32
      %sign3A_66 = arith.constant 0 : i32
      %sign3A_67 = arith.cmpi sgt, %jit3A_57, %sign3A_66 : i32
      %sign3A_68 = arith.extui %sign3A_67 : i1 to i32
      %sign3A_69 = arith.constant 0 : i32
      %sign3A_70 = arith.cmpi slt, %jit3A_57, %sign3A_69 : i32
      %sign3A_71 = arith.extui %sign3A_70 : i1 to i32
      %sign3A_72 = arith.subi %sign3A_68, %sign3A_71 : i32
      %ne3A_73 = arith.cmpi ne, %sign3A_65, %sign3A_72 : i32
      %rem3A_74 = arith.remsi %add3A_56, %jit3A_57 : i32
      %ne3A_75 = arith.constant 0 : i32
      %ne3A_76 = arith.cmpi ne, %rem3A_74, %ne3A_75 : i32
      %and3A_77 = arith.andi %ne3A_73, %ne3A_76 : i1
      %sub3A_78 = arith.constant 1 : i32
      %sub3A_79 = arith.subi %div3A_58, %sub3A_78 : i32
      %select_n3A_80 = arith.select %and3A_77, %sub3A_79, %div3A_58 : i32
      %mul3A_81 = arith.constant 8 : i32
      %mul3A_82 = arith.muli %select_n3A_80, %mul3A_81 : i32
      %jit3A_83 = arith.constant 5 : i32
      %eq3A_84 = arith.constant 0 : i32
      %eq3A_85 = arith.cmpi eq, %jit3A_83, %eq3A_84 : i32
      %jit3A_86 = arith.constant 1 : i32
      %select_n3A_87 = arith.select %eq3A_85, %jit3A_86, %jit3A_83 : i32
      %rem3A_88 = arith.remsi %add3A_56, %select_n3A_87 : i32
      %ne3A_89 = arith.constant 0 : i32
      %ne3A_90 = arith.cmpi ne, %rem3A_88, %ne3A_89 : i32
      %lt3A_91 = arith.constant 0 : i32
      %lt3A_92 = arith.cmpi slt, %rem3A_88, %lt3A_91 : i32
      %lt3A_93 = arith.constant 0 : i32
      %lt3A_94 = arith.cmpi slt, %select_n3A_87, %lt3A_93 : i32
      %ne3A_95 = arith.xori %lt3A_92, %lt3A_94 : i1
      %and3A_96 = arith.andi %ne3A_95, %ne3A_90 : i1
      %add3A_97 = arith.addi %rem3A_88, %select_n3A_87 : i32
      %select_n3A_98 = arith.select %and3A_96, %add3A_97, %rem3A_88 : i32
      %add3A_99 = arith.addi %mul3A_82, %select_n3A_98 : i32
      %add3A_100 = arith.constant 0 : i32
      %add3A_101 = arith.addi %add3A_99, %add3A_100 : i32
      %mul3A_102 = arith.constant 32 : i32
      %mul3A_103 = arith.muli %add3A_101, %mul3A_102 : i32
      %dma_start3A_104 = arith.constant 0 : i32
      %dma_start3A_105 = tpu.memref_slice %arg3[%mul3A_103, %dma_start3A_104] : memref<4096x1024xf32, #tpu.memory_space<hbm>> -> memref<32x1024xf32, #tpu.memory_space<hbm>>
      %dma_start3A_106 = arith.constant 0 : i32
      %dma_start3A_107 = tpu.memref_slice %arg3[%mul3A_103, %dma_start3A_106] : memref<4096x1024xf32, #tpu.memory_space<hbm>> -> memref<32x1024xf32, #tpu.memory_space<hbm>>
      tpu.enqueue_dma source(%arg4 : memref<32x1024xf32, #tpu.memory_space<vmem>>) target(%dma_start3A_107 : memref<32x1024xf32, #tpu.memory_space<hbm>>) target_semaphore(%arg8 : memref<!tpu.dma_semaphore, #tpu.memory_space<semaphore_mem>>)
      %mul3A_108 = arith.constant 5 : i32
      %mul3A_109 = arith.muli %arg1, %mul3A_108 : i32
      %add3A_110 = arith.constant 1 : i32
      %add3A_111 = arith.addi %mul3A_109, %add3A_110 : i32
      %jit3A_112 = arith.constant 5 : i32
      %div3A_113 = arith.divsi %add3A_111, %jit3A_112 : i32
      %sign3A_114 = arith.constant 0 : i32
      %sign3A_115 = arith.cmpi sgt, %add3A_111, %sign3A_114 : i32
      %sign3A_116 = arith.extui %sign3A_115 : i1 to i32
      %sign3A_117 = arith.constant 0 : i32
      %sign3A_118 = arith.cmpi slt, %add3A_111, %sign3A_117 : i32
      %sign3A_119 = arith.extui %sign3A_118 : i1 to i32
      %sign3A_120 = arith.subi %sign3A_116, %sign3A_119 : i32
      %sign3A_121 = arith.constant 0 : i32
      %sign3A_122 = arith.cmpi sgt, %jit3A_112, %sign3A_121 : i32
      %sign3A_123 = arith.extui %sign3A_122 : i1 to i32
      %sign3A_124 = arith.constant 0 : i32
      %sign3A_125 = arith.cmpi slt, %jit3A_112, %sign3A_124 : i32
      %sign3A_126 = arith.extui %sign3A_125 : i1 to i32
      %sign3A_127 = arith.subi %sign3A_123, %sign3A_126 : i32
      %ne3A_128 = arith.cmpi ne, %sign3A_120, %sign3A_127 : i32
      %rem3A_129 = arith.remsi %add3A_111, %jit3A_112 : i32
      %ne3A_130 = arith.constant 0 : i32
      %ne3A_131 = arith.cmpi ne, %rem3A_129, %ne3A_130 : i32
      %and3A_132 = arith.andi %ne3A_128, %ne3A_131 : i1
      %sub3A_133 = arith.constant 1 : i32
      %sub3A_134 = arith.subi %div3A_113, %sub3A_133 : i32
      %select_n3A_135 = arith.select %and3A_132, %sub3A_134, %div3A_113 : i32
      %mul3A_136 = arith.constant 8 : i32
      %mul3A_137 = arith.muli %select_n3A_135, %mul3A_136 : i32
      %jit3A_138 = arith.constant 5 : i32
      %eq3A_139 = arith.constant 0 : i32
      %eq3A_140 = arith.cmpi eq, %jit3A_138, %eq3A_139 : i32
      %jit3A_141 = arith.constant 1 : i32
      %select_n3A_142 = arith.select %eq3A_140, %jit3A_141, %jit3A_138 : i32
      %rem3A_143 = arith.remsi %add3A_111, %select_n3A_142 : i32
      %ne3A_144 = arith.constant 0 : i32
      %ne3A_145 = arith.cmpi ne, %rem3A_143, %ne3A_144 : i32
      %lt3A_146 = arith.constant 0 : i32
      %lt3A_147 = arith.cmpi slt, %rem3A_143, %lt3A_146 : i32
      %lt3A_148 = arith.constant 0 : i32
      %lt3A_149 = arith.cmpi slt, %select_n3A_142, %lt3A_148 : i32
      %ne3A_150 = arith.xori %lt3A_147, %lt3A_149 : i1
      %and3A_151 = arith.andi %ne3A_150, %ne3A_145 : i1
      %add3A_152 = arith.addi %rem3A_143, %select_n3A_142 : i32
      %select_n3A_153 = arith.select %and3A_151, %add3A_152, %rem3A_143 : i32
      %add3A_154 = arith.addi %mul3A_137, %select_n3A_153 : i32
      %add3A_155 = arith.constant 0 : i32
      %add3A_156 = arith.addi %add3A_154, %add3A_155 : i32
      %mul3A_157 = arith.constant 32 : i32
      %mul3A_158 = arith.muli %add3A_156, %mul3A_157 : i32
      %dma_start3A_159 = arith.constant 0 : i32
      %dma_start3A_160 = tpu.memref_slice %arg2[%mul3A_158, %dma_start3A_159] : memref<8192x1024xf32, #tpu.memory_space<hbm>> -> memref<32x1024xf32, #tpu.memory_space<hbm>>
      %dma_start3A_161 = arith.constant 0 : i32
      %dma_start3A_162 = tpu.memref_slice %arg2[%mul3A_158, %dma_start3A_161] : memref<8192x1024xf32, #tpu.memory_space<hbm>> -> memref<32x1024xf32, #tpu.memory_space<hbm>>
      tpu.enqueue_dma source(%dma_start3A_162 : memref<32x1024xf32, #tpu.memory_space<hbm>>) target(%arg5 : memref<32x1024xf32, #tpu.memory_space<vmem>>) target_semaphore(%arg7 : memref<!tpu.dma_semaphore, #tpu.memory_space<semaphore_mem>>)
      %dma_wait3A_163 = arith.constant 0 : i32
      %dma_wait3A_164 = tpu.memref_slice %arg2[%mul3A_158, %dma_wait3A_163] : memref<8192x1024xf32, #tpu.memory_space<hbm>> -> memref<32x1024xf32, #tpu.memory_space<hbm>>
      %dma_wait3A_165 = arith.constant 0 : i32
      %dma_wait3A_166 = tpu.memref_slice %arg2[%mul3A_158, %dma_wait3A_165] : memref<8192x1024xf32, #tpu.memory_space<hbm>> -> memref<32x1024xf32, #tpu.memory_space<hbm>>
      tpu.wait_dma2 semaphore(%arg7 : memref<!tpu.dma_semaphore, #tpu.memory_space<semaphore_mem>>) src(%dma_wait3A_166 : memref<32x1024xf32, #tpu.memory_space<hbm>>) dst(%arg5 : memref<32x1024xf32, #tpu.memory_space<vmem>>)
      %mul3A_167 = arith.constant 5 : i32
      %mul3A_168 = arith.muli %arg1, %mul3A_167 : i32
      %add3A_169 = arith.constant 1 : i32
      %add3A_170 = arith.addi %mul3A_168, %add3A_169 : i32
      %jit3A_171 = arith.constant 5 : i32
      %div3A_172 = arith.divsi %add3A_170, %jit3A_171 : i32
      %sign3A_173 = arith.constant 0 : i32
      %sign3A_174 = arith.cmpi sgt, %add3A_170, %sign3A_173 : i32
      %sign3A_175 = arith.extui %sign3A_174 : i1 to i32
      %sign3A_176 = arith.constant 0 : i32
      %sign3A_177 = arith.cmpi slt, %add3A_170, %sign3A_176 : i32
      %sign3A_178 = arith.extui %sign3A_177 : i1 to i32
      %sign3A_179 = arith.subi %sign3A_175, %sign3A_178 : i32
      %sign3A_180 = arith.constant 0 : i32
      %sign3A_181 = arith.cmpi sgt, %jit3A_171, %sign3A_180 : i32
      %sign3A_182 = arith.extui %sign3A_181 : i1 to i32
      %sign3A_183 = arith.constant 0 : i32
      %sign3A_184 = arith.cmpi slt, %jit3A_171, %sign3A_183 : i32
      %sign3A_185 = arith.extui %sign3A_184 : i1 to i32
      %sign3A_186 = arith.subi %sign3A_182, %sign3A_185 : i32
      %ne3A_187 = arith.cmpi ne, %sign3A_179, %sign3A_186 : i32
      %rem3A_188 = arith.remsi %add3A_170, %jit3A_171 : i32
      %ne3A_189 = arith.constant 0 : i32
      %ne3A_190 = arith.cmpi ne, %rem3A_188, %ne3A_189 : i32
      %and3A_191 = arith.andi %ne3A_187, %ne3A_190 : i1
      %sub3A_192 = arith.constant 1 : i32
      %sub3A_193 = arith.subi %div3A_172, %sub3A_192 : i32
      %select_n3A_194 = arith.select %and3A_191, %sub3A_193, %div3A_172 : i32
      %mul3A_195 = arith.constant 8 : i32
      %mul3A_196 = arith.muli %select_n3A_194, %mul3A_195 : i32
      %jit3A_197 = arith.constant 5 : i32
      %eq3A_198 = arith.constant 0 : i32
      %eq3A_199 = arith.cmpi eq, %jit3A_197, %eq3A_198 : i32
      %jit3A_200 = arith.constant 1 : i32
      %select_n3A_201 = arith.select %eq3A_199, %jit3A_200, %jit3A_197 : i32
      %rem3A_202 = arith.remsi %add3A_170, %select_n3A_201 : i32
      %ne3A_203 = arith.constant 0 : i32
      %ne3A_204 = arith.cmpi ne, %rem3A_202, %ne3A_203 : i32
      %lt3A_205 = arith.constant 0 : i32
      %lt3A_206 = arith.cmpi slt, %rem3A_202, %lt3A_205 : i32
      %lt3A_207 = arith.constant 0 : i32
      %lt3A_208 = arith.cmpi slt, %select_n3A_201, %lt3A_207 : i32
      %ne3A_209 = arith.xori %lt3A_206, %lt3A_208 : i1
      %and3A_210 = arith.andi %ne3A_209, %ne3A_204 : i1
      %add3A_211 = arith.addi %rem3A_202, %select_n3A_201 : i32
      %select_n3A_212 = arith.select %and3A_210, %add3A_211, %rem3A_202 : i32
      %add3A_213 = arith.addi %mul3A_196, %select_n3A_212 : i32
      %add3A_214 = arith.constant 0 : i32
      %add3A_215 = arith.addi %add3A_213, %add3A_214 : i32
      %mul3A_216 = arith.constant 32 : i32
      %mul3A_217 = arith.muli %add3A_215, %mul3A_216 : i32
      %dma_start3A_218 = arith.constant 0 : i32
      %dma_start3A_219 = tpu.memref_slice %arg3[%mul3A_217, %dma_start3A_218] : memref<4096x1024xf32, #tpu.memory_space<hbm>> -> memref<32x1024xf32, #tpu.memory_space<hbm>>
      %dma_start3A_220 = arith.constant 0 : i32
      %dma_start3A_221 = tpu.memref_slice %arg3[%mul3A_217, %dma_start3A_220] : memref<4096x1024xf32, #tpu.memory_space<hbm>> -> memref<32x1024xf32, #tpu.memory_space<hbm>>
      tpu.enqueue_dma source(%arg5 : memref<32x1024xf32, #tpu.memory_space<vmem>>) target(%dma_start3A_221 : memref<32x1024xf32, #tpu.memory_space<hbm>>) target_semaphore(%arg9 : memref<!tpu.dma_semaphore, #tpu.memory_space<semaphore_mem>>)
      %dma_wait3A_222 = arith.constant 0 : i32
      %dma_wait3A_223 = tpu.memref_slice %arg3[%mul3A_103, %dma_wait3A_222] : memref<4096x1024xf32, #tpu.memory_space<hbm>> -> memref<32x1024xf32, #tpu.memory_space<hbm>>
      %dma_wait3A_224 = arith.constant 0 : i32
      %dma_wait3A_225 = tpu.memref_slice %arg3[%mul3A_103, %dma_wait3A_224] : memref<4096x1024xf32, #tpu.memory_space<hbm>> -> memref<32x1024xf32, #tpu.memory_space<hbm>>
      tpu.wait_dma2 semaphore(%arg8 : memref<!tpu.dma_semaphore, #tpu.memory_space<semaphore_mem>>) src(%arg4 : memref<32x1024xf32, #tpu.memory_space<vmem>>) dst(%dma_wait3A_225 : memref<32x1024xf32, #tpu.memory_space<hbm>>)
      %mul3A_226 = arith.constant 5 : i32
      %mul3A_227 = arith.muli %arg1, %mul3A_226 : i32
      %add3A_228 = arith.constant 2 : i32
      %add3A_229 = arith.addi %mul3A_227, %add3A_228 : i32
      %jit3A_230 = arith.constant 5 : i32
      %div3A_231 = arith.divsi %add3A_229, %jit3A_230 : i32
      %sign3A_232 = arith.constant 0 : i32
      %sign3A_233 = arith.cmpi sgt, %add3A_229, %sign3A_232 : i32
      %sign3A_234 = arith.extui %sign3A_233 : i1 to i32
      %sign3A_235 = arith.constant 0 : i32
      %sign3A_236 = arith.cmpi slt, %add3A_229, %sign3A_235 : i32
      %sign3A_237 = arith.extui %sign3A_236 : i1 to i32
      %sign3A_238 = arith.subi %sign3A_234, %sign3A_237 : i32
      %sign3A_239 = arith.constant 0 : i32
      %sign3A_240 = arith.cmpi sgt, %jit3A_230, %sign3A_239 : i32
      %sign3A_241 = arith.extui %sign3A_240 : i1 to i32
      %sign3A_242 = arith.constant 0 : i32
      %sign3A_243 = arith.cmpi slt, %jit3A_230, %sign3A_242 : i32
      %sign3A_244 = arith.extui %sign3A_243 : i1 to i32
      %sign3A_245 = arith.subi %sign3A_241, %sign3A_244 : i32
      %ne3A_246 = arith.cmpi ne, %sign3A_238, %sign3A_245 : i32
      %rem3A_247 = arith.remsi %add3A_229, %jit3A_230 : i32
      %ne3A_248 = arith.constant 0 : i32
      %ne3A_249 = arith.cmpi ne, %rem3A_247, %ne3A_248 : i32
      %and3A_250 = arith.andi %ne3A_246, %ne3A_249 : i1
      %sub3A_251 = arith.constant 1 : i32
      %sub3A_252 = arith.subi %div3A_231, %sub3A_251 : i32
      %select_n3A_253 = arith.select %and3A_250, %sub3A_252, %div3A_231 : i32
      %mul3A_254 = arith.constant 8 : i32
      %mul3A_255 = arith.muli %select_n3A_253, %mul3A_254 : i32
      %jit3A_256 = arith.constant 5 : i32
      %eq3A_257 = arith.constant 0 : i32
      %eq3A_258 = arith.cmpi eq, %jit3A_256, %eq3A_257 : i32
      %jit3A_259 = arith.constant 1 : i32
      %select_n3A_260 = arith.select %eq3A_258, %jit3A_259, %jit3A_256 : i32
      %rem3A_261 = arith.remsi %add3A_229, %select_n3A_260 : i32
      %ne3A_262 = arith.constant 0 : i32
      %ne3A_263 = arith.cmpi ne, %rem3A_261, %ne3A_262 : i32
      %lt3A_264 = arith.constant 0 : i32
      %lt3A_265 = arith.cmpi slt, %rem3A_261, %lt3A_264 : i32
      %lt3A_266 = arith.constant 0 : i32
      %lt3A_267 = arith.cmpi slt, %select_n3A_260, %lt3A_266 : i32
      %ne3A_268 = arith.xori %lt3A_265, %lt3A_267 : i1
      %and3A_269 = arith.andi %ne3A_268, %ne3A_263 : i1
      %add3A_270 = arith.addi %rem3A_261, %select_n3A_260 : i32
      %select_n3A_271 = arith.select %and3A_269, %add3A_270, %rem3A_261 : i32
      %add3A_272 = arith.addi %mul3A_255, %select_n3A_271 : i32
      %add3A_273 = arith.constant 0 : i32
      %add3A_274 = arith.addi %add3A_272, %add3A_273 : i32
      %mul3A_275 = arith.constant 32 : i32
      %mul3A_276 = arith.muli %add3A_274, %mul3A_275 : i32
      %dma_start3A_277 = arith.constant 0 : i32
      %dma_start3A_278 = tpu.memref_slice %arg2[%mul3A_276, %dma_start3A_277] : memref<8192x1024xf32, #tpu.memory_space<hbm>> -> memref<32x1024xf32, #tpu.memory_space<hbm>>
      %dma_start3A_279 = arith.constant 0 : i32
      %dma_start3A_280 = tpu.memref_slice %arg2[%mul3A_276, %dma_start3A_279] : memref<8192x1024xf32, #tpu.memory_space<hbm>> -> memref<32x1024xf32, #tpu.memory_space<hbm>>
      tpu.enqueue_dma source(%dma_start3A_280 : memref<32x1024xf32, #tpu.memory_space<hbm>>) target(%arg4 : memref<32x1024xf32, #tpu.memory_space<vmem>>) target_semaphore(%arg6 : memref<!tpu.dma_semaphore, #tpu.memory_space<semaphore_mem>>)
      %dma_wait3A_281 = arith.constant 0 : i32
      %dma_wait3A_282 = tpu.memref_slice %arg2[%mul3A_276, %dma_wait3A_281] : memref<8192x1024xf32, #tpu.memory_space<hbm>> -> memref<32x1024xf32, #tpu.memory_space<hbm>>
      %dma_wait3A_283 = arith.constant 0 : i32
      %dma_wait3A_284 = tpu.memref_slice %arg2[%mul3A_276, %dma_wait3A_283] : memref<8192x1024xf32, #tpu.memory_space<hbm>> -> memref<32x1024xf32, #tpu.memory_space<hbm>>
      tpu.wait_dma2 semaphore(%arg6 : memref<!tpu.dma_semaphore, #tpu.memory_space<semaphore_mem>>) src(%dma_wait3A_284 : memref<32x1024xf32, #tpu.memory_space<hbm>>) dst(%arg4 : memref<32x1024xf32, #tpu.memory_space<vmem>>)
      %mul3A_285 = arith.constant 5 : i32
      %mul3A_286 = arith.muli %arg1, %mul3A_285 : i32
      %add3A_287 = arith.constant 2 : i32
      %add3A_288 = arith.addi %mul3A_286, %add3A_287 : i32
      %jit3A_289 = arith.constant 5 : i32
      %div3A_290 = arith.divsi %add3A_288, %jit3A_289 : i32
      %sign3A_291 = arith.constant 0 : i32
      %sign3A_292 = arith.cmpi sgt, %add3A_288, %sign3A_291 : i32
      %sign3A_293 = arith.extui %sign3A_292 : i1 to i32
      %sign3A_294 = arith.constant 0 : i32
      %sign3A_295 = arith.cmpi slt, %add3A_288, %sign3A_294 : i32
      %sign3A_296 = arith.extui %sign3A_295 : i1 to i32
      %sign3A_297 = arith.subi %sign3A_293, %sign3A_296 : i32
      %sign3A_298 = arith.constant 0 : i32
      %sign3A_299 = arith.cmpi sgt, %jit3A_289, %sign3A_298 : i32
      %sign3A_300 = arith.extui %sign3A_299 : i1 to i32
      %sign3A_301 = arith.constant 0 : i32
      %sign3A_302 = arith.cmpi slt, %jit3A_289, %sign3A_301 : i32
      %sign3A_303 = arith.extui %sign3A_302 : i1 to i32
      %sign3A_304 = arith.subi %sign3A_300, %sign3A_303 : i32
      %ne3A_305 = arith.cmpi ne, %sign3A_297, %sign3A_304 : i32
      %rem3A_306 = arith.remsi %add3A_288, %jit3A_289 : i32
      %ne3A_307 = arith.constant 0 : i32
      %ne3A_308 = arith.cmpi ne, %rem3A_306, %ne3A_307 : i32
      %and3A_309 = arith.andi %ne3A_305, %ne3A_308 : i1
      %sub3A_310 = arith.constant 1 : i32
      %sub3A_311 = arith.subi %div3A_290, %sub3A_310 : i32
      %select_n3A_312 = arith.select %and3A_309, %sub3A_311, %div3A_290 : i32
      %mul3A_313 = arith.constant 8 : i32
      %mul3A_314 = arith.muli %select_n3A_312, %mul3A_313 : i32
      %jit3A_315 = arith.constant 5 : i32
      %eq3A_316 = arith.constant 0 : i32
      %eq3A_317 = arith.cmpi eq, %jit3A_315, %eq3A_316 : i32
      %jit3A_318 = arith.constant 1 : i32
      %select_n3A_319 = arith.select %eq3A_317, %jit3A_318, %jit3A_315 : i32
      %rem3A_320 = arith.remsi %add3A_288, %select_n3A_319 : i32
      %ne3A_321 = arith.constant 0 : i32
      %ne3A_322 = arith.cmpi ne, %rem3A_320, %ne3A_321 : i32
      %lt3A_323 = arith.constant 0 : i32
      %lt3A_324 = arith.cmpi slt, %rem3A_320, %lt3A_323 : i32
      %lt3A_325 = arith.constant 0 : i32
      %lt3A_326 = arith.cmpi slt, %select_n3A_319, %lt3A_325 : i32
      %ne3A_327 = arith.xori %lt3A_324, %lt3A_326 : i1
      %and3A_328 = arith.andi %ne3A_327, %ne3A_322 : i1
      %add3A_329 = arith.addi %rem3A_320, %select_n3A_319 : i32
      %select_n3A_330 = arith.select %and3A_328, %add3A_329, %rem3A_320 : i32
      %add3A_331 = arith.addi %mul3A_314, %select_n3A_330 : i32
      %add3A_332 = arith.constant 0 : i32
      %add3A_333 = arith.addi %add3A_331, %add3A_332 : i32
      %mul3A_334 = arith.constant 32 : i32
      %mul3A_335 = arith.muli %add3A_333, %mul3A_334 : i32
      %dma_start3A_336 = arith.constant 0 : i32
      %dma_start3A_337 = tpu.memref_slice %arg3[%mul3A_335, %dma_start3A_336] : memref<4096x1024xf32, #tpu.memory_space<hbm>> -> memref<32x1024xf32, #tpu.memory_space<hbm>>
      %dma_start3A_338 = arith.constant 0 : i32
      %dma_start3A_339 = tpu.memref_slice %arg3[%mul3A_335, %dma_start3A_338] : memref<4096x1024xf32, #tpu.memory_space<hbm>> -> memref<32x1024xf32, #tpu.memory_space<hbm>>
      tpu.enqueue_dma source(%arg4 : memref<32x1024xf32, #tpu.memory_space<vmem>>) target(%dma_start3A_339 : memref<32x1024xf32, #tpu.memory_space<hbm>>) target_semaphore(%arg8 : memref<!tpu.dma_semaphore, #tpu.memory_space<semaphore_mem>>)
      %dma_wait3A_340 = arith.constant 0 : i32
      %dma_wait3A_341 = tpu.memref_slice %arg3[%mul3A_217, %dma_wait3A_340] : memref<4096x1024xf32, #tpu.memory_space<hbm>> -> memref<32x1024xf32, #tpu.memory_space<hbm>>
      %dma_wait3A_342 = arith.constant 0 : i32
      %dma_wait3A_343 = tpu.memref_slice %arg3[%mul3A_217, %dma_wait3A_342] : memref<4096x1024xf32, #tpu.memory_space<hbm>> -> memref<32x1024xf32, #tpu.memory_space<hbm>>
      tpu.wait_dma2 semaphore(%arg9 : memref<!tpu.dma_semaphore, #tpu.memory_space<semaphore_mem>>) src(%arg5 : memref<32x1024xf32, #tpu.memory_space<vmem>>) dst(%dma_wait3A_343 : memref<32x1024xf32, #tpu.memory_space<hbm>>)
      %mul3A_344 = arith.constant 5 : i32
      %mul3A_345 = arith.muli %arg1, %mul3A_344 : i32
      %add3A_346 = arith.constant 3 : i32
      %add3A_347 = arith.addi %mul3A_345, %add3A_346 : i32
      %jit3A_348 = arith.constant 5 : i32
      %div3A_349 = arith.divsi %add3A_347, %jit3A_348 : i32
      %sign3A_350 = arith.constant 0 : i32
      %sign3A_351 = arith.cmpi sgt, %add3A_347, %sign3A_350 : i32
      %sign3A_352 = arith.extui %sign3A_351 : i1 to i32
      %sign3A_353 = arith.constant 0 : i32
      %sign3A_354 = arith.cmpi slt, %add3A_347, %sign3A_353 : i32
      %sign3A_355 = arith.extui %sign3A_354 : i1 to i32
      %sign3A_356 = arith.subi %sign3A_352, %sign3A_355 : i32
      %sign3A_357 = arith.constant 0 : i32
      %sign3A_358 = arith.cmpi sgt, %jit3A_348, %sign3A_357 : i32
      %sign3A_359 = arith.extui %sign3A_358 : i1 to i32
      %sign3A_360 = arith.constant 0 : i32
      %sign3A_361 = arith.cmpi slt, %jit3A_348, %sign3A_360 : i32
      %sign3A_362 = arith.extui %sign3A_361 : i1 to i32
      %sign3A_363 = arith.subi %sign3A_359, %sign3A_362 : i32
      %ne3A_364 = arith.cmpi ne, %sign3A_356, %sign3A_363 : i32
      %rem3A_365 = arith.remsi %add3A_347, %jit3A_348 : i32
      %ne3A_366 = arith.constant 0 : i32
      %ne3A_367 = arith.cmpi ne, %rem3A_365, %ne3A_366 : i32
      %and3A_368 = arith.andi %ne3A_364, %ne3A_367 : i1
      %sub3A_369 = arith.constant 1 : i32
      %sub3A_370 = arith.subi %div3A_349, %sub3A_369 : i32
      %select_n3A_371 = arith.select %and3A_368, %sub3A_370, %div3A_349 : i32
      %mul3A_372 = arith.constant 8 : i32
      %mul3A_373 = arith.muli %select_n3A_371, %mul3A_372 : i32
      %jit3A_374 = arith.constant 5 : i32
      %eq3A_375 = arith.constant 0 : i32
      %eq3A_376 = arith.cmpi eq, %jit3A_374, %eq3A_375 : i32
      %jit3A_377 = arith.constant 1 : i32
      %select_n3A_378 = arith.select %eq3A_376, %jit3A_377, %jit3A_374 : i32
      %rem3A_379 = arith.remsi %add3A_347, %select_n3A_378 : i32
      %ne3A_380 = arith.constant 0 : i32
      %ne3A_381 = arith.cmpi ne, %rem3A_379, %ne3A_380 : i32
      %lt3A_382 = arith.constant 0 : i32
      %lt3A_383 = arith.cmpi slt, %rem3A_379, %lt3A_382 : i32
      %lt3A_384 = arith.constant 0 : i32
      %lt3A_385 = arith.cmpi slt, %select_n3A_378, %lt3A_384 : i32
      %ne3A_386 = arith.xori %lt3A_383, %lt3A_385 : i1
      %and3A_387 = arith.andi %ne3A_386, %ne3A_381 : i1
      %add3A_388 = arith.addi %rem3A_379, %select_n3A_378 : i32
      %select_n3A_389 = arith.select %and3A_387, %add3A_388, %rem3A_379 : i32
      %add3A_390 = arith.addi %mul3A_373, %select_n3A_389 : i32
      %add3A_391 = arith.constant 0 : i32
      %add3A_392 = arith.addi %add3A_390, %add3A_391 : i32
      %mul3A_393 = arith.constant 32 : i32
      %mul3A_394 = arith.muli %add3A_392, %mul3A_393 : i32
      %dma_start3A_395 = arith.constant 0 : i32
      %dma_start3A_396 = tpu.memref_slice %arg2[%mul3A_394, %dma_start3A_395] : memref<8192x1024xf32, #tpu.memory_space<hbm>> -> memref<32x1024xf32, #tpu.memory_space<hbm>>
      %dma_start3A_397 = arith.constant 0 : i32
      %dma_start3A_398 = tpu.memref_slice %arg2[%mul3A_394, %dma_start3A_397] : memref<8192x1024xf32, #tpu.memory_space<hbm>> -> memref<32x1024xf32, #tpu.memory_space<hbm>>
      tpu.enqueue_dma source(%dma_start3A_398 : memref<32x1024xf32, #tpu.memory_space<hbm>>) target(%arg5 : memref<32x1024xf32, #tpu.memory_space<vmem>>) target_semaphore(%arg7 : memref<!tpu.dma_semaphore, #tpu.memory_space<semaphore_mem>>)
      %dma_wait3A_399 = arith.constant 0 : i32
      %dma_wait3A_400 = tpu.memref_slice %arg2[%mul3A_394, %dma_wait3A_399] : memref<8192x1024xf32, #tpu.memory_space<hbm>> -> memref<32x1024xf32, #tpu.memory_space<hbm>>
      %dma_wait3A_401 = arith.constant 0 : i32
      %dma_wait3A_402 = tpu.memref_slice %arg2[%mul3A_394, %dma_wait3A_401] : memref<8192x1024xf32, #tpu.memory_space<hbm>> -> memref<32x1024xf32, #tpu.memory_space<hbm>>
      tpu.wait_dma2 semaphore(%arg7 : memref<!tpu.dma_semaphore, #tpu.memory_space<semaphore_mem>>) src(%dma_wait3A_402 : memref<32x1024xf32, #tpu.memory_space<hbm>>) dst(%arg5 : memref<32x1024xf32, #tpu.memory_space<vmem>>)
      %mul3A_403 = arith.constant 5 : i32
      %mul3A_404 = arith.muli %arg1, %mul3A_403 : i32
      %add3A_405 = arith.constant 3 : i32
      %add3A_406 = arith.addi %mul3A_404, %add3A_405 : i32
      %jit3A_407 = arith.constant 5 : i32
      %div3A_408 = arith.divsi %add3A_406, %jit3A_407 : i32
      %sign3A_409 = arith.constant 0 : i32
      %sign3A_410 = arith.cmpi sgt, %add3A_406, %sign3A_409 : i32
      %sign3A_411 = arith.extui %sign3A_410 : i1 to i32
      %sign3A_412 = arith.constant 0 : i32
      %sign3A_413 = arith.cmpi slt, %add3A_406, %sign3A_412 : i32
      %sign3A_414 = arith.extui %sign3A_413 : i1 to i32
      %sign3A_415 = arith.subi %sign3A_411, %sign3A_414 : i32
      %sign3A_416 = arith.constant 0 : i32
      %sign3A_417 = arith.cmpi sgt, %jit3A_407, %sign3A_416 : i32
      %sign3A_418 = arith.extui %sign3A_417 : i1 to i32
      %sign3A_419 = arith.constant 0 : i32
      %sign3A_420 = arith.cmpi slt, %jit3A_407, %sign3A_419 : i32
      %sign3A_421 = arith.extui %sign3A_420 : i1 to i32
      %sign3A_422 = arith.subi %sign3A_418, %sign3A_421 : i32
      %ne3A_423 = arith.cmpi ne, %sign3A_415, %sign3A_422 : i32
      %rem3A_424 = arith.remsi %add3A_406, %jit3A_407 : i32
      %ne3A_425 = arith.constant 0 : i32
      %ne3A_426 = arith.cmpi ne, %rem3A_424, %ne3A_425 : i32
      %and3A_427 = arith.andi %ne3A_423, %ne3A_426 : i1
      %sub3A_428 = arith.constant 1 : i32
      %sub3A_429 = arith.subi %div3A_408, %sub3A_428 : i32
      %select_n3A_430 = arith.select %and3A_427, %sub3A_429, %div3A_408 : i32
      %mul3A_431 = arith.constant 8 : i32
      %mul3A_432 = arith.muli %select_n3A_430, %mul3A_431 : i32
      %jit3A_433 = arith.constant 5 : i32
      %eq3A_434 = arith.constant 0 : i32
      %eq3A_435 = arith.cmpi eq, %jit3A_433, %eq3A_434 : i32
      %jit3A_436 = arith.constant 1 : i32
      %select_n3A_437 = arith.select %eq3A_435, %jit3A_436, %jit3A_433 : i32
      %rem3A_438 = arith.remsi %add3A_406, %select_n3A_437 : i32
      %ne3A_439 = arith.constant 0 : i32
      %ne3A_440 = arith.cmpi ne, %rem3A_438, %ne3A_439 : i32
      %lt3A_441 = arith.constant 0 : i32
      %lt3A_442 = arith.cmpi slt, %rem3A_438, %lt3A_441 : i32
      %lt3A_443 = arith.constant 0 : i32
      %lt3A_444 = arith.cmpi slt, %select_n3A_437, %lt3A_443 : i32
      %ne3A_445 = arith.xori %lt3A_442, %lt3A_444 : i1
      %and3A_446 = arith.andi %ne3A_445, %ne3A_440 : i1
      %add3A_447 = arith.addi %rem3A_438, %select_n3A_437 : i32
      %select_n3A_448 = arith.select %and3A_446, %add3A_447, %rem3A_438 : i32
      %add3A_449 = arith.addi %mul3A_432, %select_n3A_448 : i32
      %add3A_450 = arith.constant 0 : i32
      %add3A_451 = arith.addi %add3A_449, %add3A_450 : i32
      %mul3A_452 = arith.constant 32 : i32
      %mul3A_453 = arith.muli %add3A_451, %mul3A_452 : i32
      %dma_start3A_454 = arith.constant 0 : i32
      %dma_start3A_455 = tpu.memref_slice %arg3[%mul3A_453, %dma_start3A_454] : memref<4096x1024xf32, #tpu.memory_space<hbm>> -> memref<32x1024xf32, #tpu.memory_space<hbm>>
      %dma_start3A_456 = arith.constant 0 : i32
      %dma_start3A_457 = tpu.memref_slice %arg3[%mul3A_453, %dma_start3A_456] : memref<4096x1024xf32, #tpu.memory_space<hbm>> -> memref<32x1024xf32, #tpu.memory_space<hbm>>
      tpu.enqueue_dma source(%arg5 : memref<32x1024xf32, #tpu.memory_space<vmem>>) target(%dma_start3A_457 : memref<32x1024xf32, #tpu.memory_space<hbm>>) target_semaphore(%arg9 : memref<!tpu.dma_semaphore, #tpu.memory_space<semaphore_mem>>)
      %dma_wait3A_458 = arith.constant 0 : i32
      %dma_wait3A_459 = tpu.memref_slice %arg3[%mul3A_335, %dma_wait3A_458] : memref<4096x1024xf32, #tpu.memory_space<hbm>> -> memref<32x1024xf32, #tpu.memory_space<hbm>>
      %dma_wait3A_460 = arith.constant 0 : i32
      %dma_wait3A_461 = tpu.memref_slice %arg3[%mul3A_335, %dma_wait3A_460] : memref<4096x1024xf32, #tpu.memory_space<hbm>> -> memref<32x1024xf32, #tpu.memory_space<hbm>>
      tpu.wait_dma2 semaphore(%arg8 : memref<!tpu.dma_semaphore, #tpu.memory_space<semaphore_mem>>) src(%arg4 : memref<32x1024xf32, #tpu.memory_space<vmem>>) dst(%dma_wait3A_461 : memref<32x1024xf32, #tpu.memory_space<hbm>>)
      %mul3A_462 = arith.constant 5 : i32
      %mul3A_463 = arith.muli %arg1, %mul3A_462 : i32
      %add3A_464 = arith.constant 4 : i32
      %add3A_465 = arith.addi %mul3A_463, %add3A_464 : i32
      %jit3A_466 = arith.constant 5 : i32
      %div3A_467 = arith.divsi %add3A_465, %jit3A_466 : i32
      %sign3A_468 = arith.constant 0 : i32
      %sign3A_469 = arith.cmpi sgt, %add3A_465, %sign3A_468 : i32
      %sign3A_470 = arith.extui %sign3A_469 : i1 to i32
      %sign3A_471 = arith.constant 0 : i32
      %sign3A_472 = arith.cmpi slt, %add3A_465, %sign3A_471 : i32
      %sign3A_473 = arith.extui %sign3A_472 : i1 to i32
      %sign3A_474 = arith.subi %sign3A_470, %sign3A_473 : i32
      %sign3A_475 = arith.constant 0 : i32
      %sign3A_476 = arith.cmpi sgt, %jit3A_466, %sign3A_475 : i32
      %sign3A_477 = arith.extui %sign3A_476 : i1 to i32
      %sign3A_478 = arith.constant 0 : i32
      %sign3A_479 = arith.cmpi slt, %jit3A_466, %sign3A_478 : i32
      %sign3A_480 = arith.extui %sign3A_479 : i1 to i32
      %sign3A_481 = arith.subi %sign3A_477, %sign3A_480 : i32
      %ne3A_482 = arith.cmpi ne, %sign3A_474, %sign3A_481 : i32
      %rem3A_483 = arith.remsi %add3A_465, %jit3A_466 : i32
      %ne3A_484 = arith.constant 0 : i32
      %ne3A_485 = arith.cmpi ne, %rem3A_483, %ne3A_484 : i32
      %and3A_486 = arith.andi %ne3A_482, %ne3A_485 : i1
      %sub3A_487 = arith.constant 1 : i32
      %sub3A_488 = arith.subi %div3A_467, %sub3A_487 : i32
      %select_n3A_489 = arith.select %and3A_486, %sub3A_488, %div3A_467 : i32
      %mul3A_490 = arith.constant 8 : i32
      %mul3A_491 = arith.muli %select_n3A_489, %mul3A_490 : i32
      %jit3A_492 = arith.constant 5 : i32
      %eq3A_493 = arith.constant 0 : i32
      %eq3A_494 = arith.cmpi eq, %jit3A_492, %eq3A_493 : i32
      %jit3A_495 = arith.constant 1 : i32
      %select_n3A_496 = arith.select %eq3A_494, %jit3A_495, %jit3A_492 : i32
      %rem3A_497 = arith.remsi %add3A_465, %select_n3A_496 : i32
      %ne3A_498 = arith.constant 0 : i32
      %ne3A_499 = arith.cmpi ne, %rem3A_497, %ne3A_498 : i32
      %lt3A_500 = arith.constant 0 : i32
      %lt3A_501 = arith.cmpi slt, %rem3A_497, %lt3A_500 : i32
      %lt3A_502 = arith.constant 0 : i32
      %lt3A_503 = arith.cmpi slt, %select_n3A_496, %lt3A_502 : i32
      %ne3A_504 = arith.xori %lt3A_501, %lt3A_503 : i1
      %and3A_505 = arith.andi %ne3A_504, %ne3A_499 : i1
      %add3A_506 = arith.addi %rem3A_497, %select_n3A_496 : i32
      %select_n3A_507 = arith.select %and3A_505, %add3A_506, %rem3A_497 : i32
      %add3A_508 = arith.addi %mul3A_491, %select_n3A_507 : i32
      %add3A_509 = arith.constant 0 : i32
      %add3A_510 = arith.addi %add3A_508, %add3A_509 : i32
      %mul3A_511 = arith.constant 32 : i32
      %mul3A_512 = arith.muli %add3A_510, %mul3A_511 : i32
      %dma_start3A_513 = arith.constant 0 : i32
      %dma_start3A_514 = tpu.memref_slice %arg2[%mul3A_512, %dma_start3A_513] : memref<8192x1024xf32, #tpu.memory_space<hbm>> -> memref<32x1024xf32, #tpu.memory_space<hbm>>
      %dma_start3A_515 = arith.constant 0 : i32
      %dma_start3A_516 = tpu.memref_slice %arg2[%mul3A_512, %dma_start3A_515] : memref<8192x1024xf32, #tpu.memory_space<hbm>> -> memref<32x1024xf32, #tpu.memory_space<hbm>>
      tpu.enqueue_dma source(%dma_start3A_516 : memref<32x1024xf32, #tpu.memory_space<hbm>>) target(%arg4 : memref<32x1024xf32, #tpu.memory_space<vmem>>) target_semaphore(%arg6 : memref<!tpu.dma_semaphore, #tpu.memory_space<semaphore_mem>>)
      %dma_wait3A_517 = arith.constant 0 : i32
      %dma_wait3A_518 = tpu.memref_slice %arg2[%mul3A_512, %dma_wait3A_517] : memref<8192x1024xf32, #tpu.memory_space<hbm>> -> memref<32x1024xf32, #tpu.memory_space<hbm>>
      %dma_wait3A_519 = arith.constant 0 : i32
      %dma_wait3A_520 = tpu.memref_slice %arg2[%mul3A_512, %dma_wait3A_519] : memref<8192x1024xf32, #tpu.memory_space<hbm>> -> memref<32x1024xf32, #tpu.memory_space<hbm>>
      tpu.wait_dma2 semaphore(%arg6 : memref<!tpu.dma_semaphore, #tpu.memory_space<semaphore_mem>>) src(%dma_wait3A_520 : memref<32x1024xf32, #tpu.memory_space<hbm>>) dst(%arg4 : memref<32x1024xf32, #tpu.memory_space<vmem>>)
      %mul3A_521 = arith.constant 5 : i32
      %mul3A_522 = arith.muli %arg1, %mul3A_521 : i32
      %add3A_523 = arith.constant 4 : i32
      %add3A_524 = arith.addi %mul3A_522, %add3A_523 : i32
      %jit3A_525 = arith.constant 5 : i32
      %div3A_526 = arith.divsi %add3A_524, %jit3A_525 : i32
      %sign3A_527 = arith.constant 0 : i32
      %sign3A_528 = arith.cmpi sgt, %add3A_524, %sign3A_527 : i32
      %sign3A_529 = arith.extui %sign3A_528 : i1 to i32
      %sign3A_530 = arith.constant 0 : i32
      %sign3A_531 = arith.cmpi slt, %add3A_524, %sign3A_530 : i32
      %sign3A_532 = arith.extui %sign3A_531 : i1 to i32
      %sign3A_533 = arith.subi %sign3A_529, %sign3A_532 : i32
      %sign3A_534 = arith.constant 0 : i32
      %sign3A_535 = arith.cmpi sgt, %jit3A_525, %sign3A_534 : i32
      %sign3A_536 = arith.extui %sign3A_535 : i1 to i32
      %sign3A_537 = arith.constant 0 : i32
      %sign3A_538 = arith.cmpi slt, %jit3A_525, %sign3A_537 : i32
      %sign3A_539 = arith.extui %sign3A_538 : i1 to i32
      %sign3A_540 = arith.subi %sign3A_536, %sign3A_539 : i32
      %ne3A_541 = arith.cmpi ne, %sign3A_533, %sign3A_540 : i32
      %rem3A_542 = arith.remsi %add3A_524, %jit3A_525 : i32
      %ne3A_543 = arith.constant 0 : i32
      %ne3A_544 = arith.cmpi ne, %rem3A_542, %ne3A_543 : i32
      %and3A_545 = arith.andi %ne3A_541, %ne3A_544 : i1
      %sub3A_546 = arith.constant 1 : i32
      %sub3A_547 = arith.subi %div3A_526, %sub3A_546 : i32
      %select_n3A_548 = arith.select %and3A_545, %sub3A_547, %div3A_526 : i32
      %mul3A_549 = arith.constant 8 : i32
      %mul3A_550 = arith.muli %select_n3A_548, %mul3A_549 : i32
      %jit3A_551 = arith.constant 5 : i32
      %eq3A_552 = arith.constant 0 : i32
      %eq3A_553 = arith.cmpi eq, %jit3A_551, %eq3A_552 : i32
      %jit3A_554 = arith.constant 1 : i32
      %select_n3A_555 = arith.select %eq3A_553, %jit3A_554, %jit3A_551 : i32
      %rem3A_556 = arith.remsi %add3A_524, %select_n3A_555 : i32
      %ne3A_557 = arith.constant 0 : i32
      %ne3A_558 = arith.cmpi ne, %rem3A_556, %ne3A_557 : i32
      %lt3A_559 = arith.constant 0 : i32
      %lt3A_560 = arith.cmpi slt, %rem3A_556, %lt3A_559 : i32
      %lt3A_561 = arith.constant 0 : i32
      %lt3A_562 = arith.cmpi slt, %select_n3A_555, %lt3A_561 : i32
      %ne3A_563 = arith.xori %lt3A_560, %lt3A_562 : i1
      %and3A_564 = arith.andi %ne3A_563, %ne3A_558 : i1
      %add3A_565 = arith.addi %rem3A_556, %select_n3A_555 : i32
      %select_n3A_566 = arith.select %and3A_564, %add3A_565, %rem3A_556 : i32
      %add3A_567 = arith.addi %mul3A_550, %select_n3A_566 : i32
      %add3A_568 = arith.constant 0 : i32
      %add3A_569 = arith.addi %add3A_567, %add3A_568 : i32
      %mul3A_570 = arith.constant 32 : i32
      %mul3A_571 = arith.muli %add3A_569, %mul3A_570 : i32
      %dma_start3A_572 = arith.constant 0 : i32
      %dma_start3A_573 = tpu.memref_slice %arg3[%mul3A_571, %dma_start3A_572] : memref<4096x1024xf32, #tpu.memory_space<hbm>> -> memref<32x1024xf32, #tpu.memory_space<hbm>>
      %dma_start3A_574 = arith.constant 0 : i32
      %dma_start3A_575 = tpu.memref_slice %arg3[%mul3A_571, %dma_start3A_574] : memref<4096x1024xf32, #tpu.memory_space<hbm>> -> memref<32x1024xf32, #tpu.memory_space<hbm>>
      tpu.enqueue_dma source(%arg4 : memref<32x1024xf32, #tpu.memory_space<vmem>>) target(%dma_start3A_575 : memref<32x1024xf32, #tpu.memory_space<hbm>>) target_semaphore(%arg8 : memref<!tpu.dma_semaphore, #tpu.memory_space<semaphore_mem>>)
      %dma_wait3A_576 = arith.constant 0 : i32
      %dma_wait3A_577 = tpu.memref_slice %arg3[%mul3A_453, %dma_wait3A_576] : memref<4096x1024xf32, #tpu.memory_space<hbm>> -> memref<32x1024xf32, #tpu.memory_space<hbm>>
      %dma_wait3A_578 = arith.constant 0 : i32
      %dma_wait3A_579 = tpu.memref_slice %arg3[%mul3A_453, %dma_wait3A_578] : memref<4096x1024xf32, #tpu.memory_space<hbm>> -> memref<32x1024xf32, #tpu.memory_space<hbm>>
      tpu.wait_dma2 semaphore(%arg9 : memref<!tpu.dma_semaphore, #tpu.memory_space<semaphore_mem>>) src(%arg5 : memref<32x1024xf32, #tpu.memory_space<vmem>>) dst(%dma_wait3A_579 : memref<32x1024xf32, #tpu.memory_space<hbm>>)
      %dma_wait3A_580 = arith.constant 0 : i32
      %dma_wait3A_581 = tpu.memref_slice %arg3[%mul3A_571, %dma_wait3A_580] : memref<4096x1024xf32, #tpu.memory_space<hbm>> -> memref<32x1024xf32, #tpu.memory_space<hbm>>
      %dma_wait3A_582 = arith.constant 0 : i32
      %dma_wait3A_583 = tpu.memref_slice %arg3[%mul3A_571, %dma_wait3A_582] : memref<4096x1024xf32, #tpu.memory_space<hbm>> -> memref<32x1024xf32, #tpu.memory_space<hbm>>
      tpu.wait_dma2 semaphore(%arg8 : memref<!tpu.dma_semaphore, #tpu.memory_space<semaphore_mem>>) src(%arg4 : memref<32x1024xf32, #tpu.memory_space<vmem>>) dst(%dma_wait3A_583 : memref<32x1024xf32, #tpu.memory_space<hbm>>)
    } else {
    }
    %eq3A_2 = arith.constant 1 : i32
    %eq3A_3 = arith.cmpi eq, %arg0, %eq3A_2 : i32
    %convert_element_type3A_4 = arith.extui %eq3A_3 : i1 to i32
    %cond3A_5 = arith.constant 0 : i32
    %cond3A_6 = arith.cmpi ne, %convert_element_type3A_4, %cond3A_5 : i32
    scf.if %cond3A_6 {
      %mul3A = arith.constant 3 : i32
      %mul3A_7 = arith.muli %arg1, %mul3A : i32
      %add3A = arith.constant 0 : i32
      %add3A_8 = arith.addi %mul3A_7, %add3A : i32
      %jit3A = arith.constant 3 : i32
      %div3A = arith.divsi %add3A_8, %jit3A : i32
      %sign3A = arith.constant 0 : i32
      %sign3A_9 = arith.cmpi sgt, %add3A_8, %sign3A : i32
      %sign3A_10 = arith.extui %sign3A_9 : i1 to i32
      %sign3A_11 = arith.constant 0 : i32
      %sign3A_12 = arith.cmpi slt, %add3A_8, %sign3A_11 : i32
      %sign3A_13 = arith.extui %sign3A_12 : i1 to i32
      %sign3A_14 = arith.subi %sign3A_10, %sign3A_13 : i32
      %sign3A_15 = arith.constant 0 : i32
      %sign3A_16 = arith.cmpi sgt, %jit3A, %sign3A_15 : i32
      %sign3A_17 = arith.extui %sign3A_16 : i1 to i32
      %sign3A_18 = arith.constant 0 : i32
      %sign3A_19 = arith.cmpi slt, %jit3A, %sign3A_18 : i32
      %sign3A_20 = arith.extui %sign3A_19 : i1 to i32
      %sign3A_21 = arith.subi %sign3A_17, %sign3A_20 : i32
      %ne3A = arith.cmpi ne, %sign3A_14, %sign3A_21 : i32
      %rem3A = arith.remsi %add3A_8, %jit3A : i32
      %ne3A_22 = arith.constant 0 : i32
      %ne3A_23 = arith.cmpi ne, %rem3A, %ne3A_22 : i32
      %and3A = arith.andi %ne3A, %ne3A_23 : i1
      %sub3A = arith.constant 1 : i32
      %sub3A_24 = arith.subi %div3A, %sub3A : i32
      %select_n3A = arith.select %and3A, %sub3A_24, %div3A : i32
      %mul3A_25 = arith.constant 8 : i32
      %mul3A_26 = arith.muli %select_n3A, %mul3A_25 : i32
      %jit3A_27 = arith.constant 3 : i32
      %eq3A_28 = arith.constant 0 : i32
      %eq3A_29 = arith.cmpi eq, %jit3A_27, %eq3A_28 : i32
      %jit3A_30 = arith.constant 1 : i32
      %select_n3A_31 = arith.select %eq3A_29, %jit3A_30, %jit3A_27 : i32
      %rem3A_32 = arith.remsi %add3A_8, %select_n3A_31 : i32
      %ne3A_33 = arith.constant 0 : i32
      %ne3A_34 = arith.cmpi ne, %rem3A_32, %ne3A_33 : i32
      %lt3A = arith.constant 0 : i32
      %lt3A_35 = arith.cmpi slt, %rem3A_32, %lt3A : i32
      %lt3A_36 = arith.constant 0 : i32
      %lt3A_37 = arith.cmpi slt, %select_n3A_31, %lt3A_36 : i32
      %ne3A_38 = arith.xori %lt3A_35, %lt3A_37 : i1
      %and3A_39 = arith.andi %ne3A_38, %ne3A_34 : i1
      %add3A_40 = arith.addi %rem3A_32, %select_n3A_31 : i32
      %select_n3A_41 = arith.select %and3A_39, %add3A_40, %rem3A_32 : i32
      %add3A_42 = arith.addi %mul3A_26, %select_n3A_41 : i32
      %add3A_43 = arith.constant 5 : i32
      %add3A_44 = arith.addi %add3A_42, %add3A_43 : i32
      %mul3A_45 = arith.constant 32 : i32
      %mul3A_46 = arith.muli %add3A_44, %mul3A_45 : i32
      %dma_start3A = arith.constant 0 : i32
      %dma_start3A_47 = tpu.memref_slice %arg2[%mul3A_46, %dma_start3A] : memref<8192x1024xf32, #tpu.memory_space<hbm>> -> memref<32x1024xf32, #tpu.memory_space<hbm>>
      %dma_start3A_48 = arith.constant 0 : i32
      %dma_start3A_49 = tpu.memref_slice %arg2[%mul3A_46, %dma_start3A_48] : memref<8192x1024xf32, #tpu.memory_space<hbm>> -> memref<32x1024xf32, #tpu.memory_space<hbm>>
      tpu.enqueue_dma source(%dma_start3A_49 : memref<32x1024xf32, #tpu.memory_space<hbm>>) target(%arg4 : memref<32x1024xf32, #tpu.memory_space<vmem>>) target_semaphore(%arg6 : memref<!tpu.dma_semaphore, #tpu.memory_space<semaphore_mem>>)
      %dma_wait3A = arith.constant 0 : i32
      %dma_wait3A_50 = tpu.memref_slice %arg2[%mul3A_46, %dma_wait3A] : memref<8192x1024xf32, #tpu.memory_space<hbm>> -> memref<32x1024xf32, #tpu.memory_space<hbm>>
      %dma_wait3A_51 = arith.constant 0 : i32
      %dma_wait3A_52 = tpu.memref_slice %arg2[%mul3A_46, %dma_wait3A_51] : memref<8192x1024xf32, #tpu.memory_space<hbm>> -> memref<32x1024xf32, #tpu.memory_space<hbm>>
      tpu.wait_dma2 semaphore(%arg6 : memref<!tpu.dma_semaphore, #tpu.memory_space<semaphore_mem>>) src(%dma_wait3A_52 : memref<32x1024xf32, #tpu.memory_space<hbm>>) dst(%arg4 : memref<32x1024xf32, #tpu.memory_space<vmem>>)
      %mul3A_53 = arith.constant 3 : i32
      %mul3A_54 = arith.muli %arg1, %mul3A_53 : i32
      %add3A_55 = arith.constant 0 : i32
      %add3A_56 = arith.addi %mul3A_54, %add3A_55 : i32
      %jit3A_57 = arith.constant 3 : i32
      %div3A_58 = arith.divsi %add3A_56, %jit3A_57 : i32
      %sign3A_59 = arith.constant 0 : i32
      %sign3A_60 = arith.cmpi sgt, %add3A_56, %sign3A_59 : i32
      %sign3A_61 = arith.extui %sign3A_60 : i1 to i32
      %sign3A_62 = arith.constant 0 : i32
      %sign3A_63 = arith.cmpi slt, %add3A_56, %sign3A_62 : i32
      %sign3A_64 = arith.extui %sign3A_63 : i1 to i32
      %sign3A_65 = arith.subi %sign3A_61, %sign3A_64 : i32
      %sign3A_66 = arith.constant 0 : i32
      %sign3A_67 = arith.cmpi sgt, %jit3A_57, %sign3A_66 : i32
      %sign3A_68 = arith.extui %sign3A_67 : i1 to i32
      %sign3A_69 = arith.constant 0 : i32
      %sign3A_70 = arith.cmpi slt, %jit3A_57, %sign3A_69 : i32
      %sign3A_71 = arith.extui %sign3A_70 : i1 to i32
      %sign3A_72 = arith.subi %sign3A_68, %sign3A_71 : i32
      %ne3A_73 = arith.cmpi ne, %sign3A_65, %sign3A_72 : i32
      %rem3A_74 = arith.remsi %add3A_56, %jit3A_57 : i32
      %ne3A_75 = arith.constant 0 : i32
      %ne3A_76 = arith.cmpi ne, %rem3A_74, %ne3A_75 : i32
      %and3A_77 = arith.andi %ne3A_73, %ne3A_76 : i1
      %sub3A_78 = arith.constant 1 : i32
      %sub3A_79 = arith.subi %div3A_58, %sub3A_78 : i32
      %select_n3A_80 = arith.select %and3A_77, %sub3A_79, %div3A_58 : i32
      %mul3A_81 = arith.constant 8 : i32
      %mul3A_82 = arith.muli %select_n3A_80, %mul3A_81 : i32
      %jit3A_83 = arith.constant 3 : i32
      %eq3A_84 = arith.constant 0 : i32
      %eq3A_85 = arith.cmpi eq, %jit3A_83, %eq3A_84 : i32
      %jit3A_86 = arith.constant 1 : i32
      %select_n3A_87 = arith.select %eq3A_85, %jit3A_86, %jit3A_83 : i32
      %rem3A_88 = arith.remsi %add3A_56, %select_n3A_87 : i32
      %ne3A_89 = arith.constant 0 : i32
      %ne3A_90 = arith.cmpi ne, %rem3A_88, %ne3A_89 : i32
      %lt3A_91 = arith.constant 0 : i32
      %lt3A_92 = arith.cmpi slt, %rem3A_88, %lt3A_91 : i32
      %lt3A_93 = arith.constant 0 : i32
      %lt3A_94 = arith.cmpi slt, %select_n3A_87, %lt3A_93 : i32
      %ne3A_95 = arith.xori %lt3A_92, %lt3A_94 : i1
      %and3A_96 = arith.andi %ne3A_95, %ne3A_90 : i1
      %add3A_97 = arith.addi %rem3A_88, %select_n3A_87 : i32
      %select_n3A_98 = arith.select %and3A_96, %add3A_97, %rem3A_88 : i32
      %add3A_99 = arith.addi %mul3A_82, %select_n3A_98 : i32
      %add3A_100 = arith.constant 5 : i32
      %add3A_101 = arith.addi %add3A_99, %add3A_100 : i32
      %mul3A_102 = arith.constant 32 : i32
      %mul3A_103 = arith.muli %add3A_101, %mul3A_102 : i32
      %dma_start3A_104 = arith.constant 0 : i32
      %dma_start3A_105 = tpu.memref_slice %arg3[%mul3A_103, %dma_start3A_104] : memref<4096x1024xf32, #tpu.memory_space<hbm>> -> memref<32x1024xf32, #tpu.memory_space<hbm>>
      %dma_start3A_106 = arith.constant 0 : i32
      %dma_start3A_107 = tpu.memref_slice %arg3[%mul3A_103, %dma_start3A_106] : memref<4096x1024xf32, #tpu.memory_space<hbm>> -> memref<32x1024xf32, #tpu.memory_space<hbm>>
      tpu.enqueue_dma source(%arg4 : memref<32x1024xf32, #tpu.memory_space<vmem>>) target(%dma_start3A_107 : memref<32x1024xf32, #tpu.memory_space<hbm>>) target_semaphore(%arg8 : memref<!tpu.dma_semaphore, #tpu.memory_space<semaphore_mem>>)
      %mul3A_108 = arith.constant 3 : i32
      %mul3A_109 = arith.muli %arg1, %mul3A_108 : i32
      %add3A_110 = arith.constant 1 : i32
      %add3A_111 = arith.addi %mul3A_109, %add3A_110 : i32
      %jit3A_112 = arith.constant 3 : i32
      %div3A_113 = arith.divsi %add3A_111, %jit3A_112 : i32
      %sign3A_114 = arith.constant 0 : i32
      %sign3A_115 = arith.cmpi sgt, %add3A_111, %sign3A_114 : i32
      %sign3A_116 = arith.extui %sign3A_115 : i1 to i32
      %sign3A_117 = arith.constant 0 : i32
      %sign3A_118 = arith.cmpi slt, %add3A_111, %sign3A_117 : i32
      %sign3A_119 = arith.extui %sign3A_118 : i1 to i32
      %sign3A_120 = arith.subi %sign3A_116, %sign3A_119 : i32
      %sign3A_121 = arith.constant 0 : i32
      %sign3A_122 = arith.cmpi sgt, %jit3A_112, %sign3A_121 : i32
      %sign3A_123 = arith.extui %sign3A_122 : i1 to i32
      %sign3A_124 = arith.constant 0 : i32
      %sign3A_125 = arith.cmpi slt, %jit3A_112, %sign3A_124 : i32
      %sign3A_126 = arith.extui %sign3A_125 : i1 to i32
      %sign3A_127 = arith.subi %sign3A_123, %sign3A_126 : i32
      %ne3A_128 = arith.cmpi ne, %sign3A_120, %sign3A_127 : i32
      %rem3A_129 = arith.remsi %add3A_111, %jit3A_112 : i32
      %ne3A_130 = arith.constant 0 : i32
      %ne3A_131 = arith.cmpi ne, %rem3A_129, %ne3A_130 : i32
      %and3A_132 = arith.andi %ne3A_128, %ne3A_131 : i1
      %sub3A_133 = arith.constant 1 : i32
      %sub3A_134 = arith.subi %div3A_113, %sub3A_133 : i32
      %select_n3A_135 = arith.select %and3A_132, %sub3A_134, %div3A_113 : i32
      %mul3A_136 = arith.constant 8 : i32
      %mul3A_137 = arith.muli %select_n3A_135, %mul3A_136 : i32
      %jit3A_138 = arith.constant 3 : i32
      %eq3A_139 = arith.constant 0 : i32
      %eq3A_140 = arith.cmpi eq, %jit3A_138, %eq3A_139 : i32
      %jit3A_141 = arith.constant 1 : i32
      %select_n3A_142 = arith.select %eq3A_140, %jit3A_141, %jit3A_138 : i32
      %rem3A_143 = arith.remsi %add3A_111, %select_n3A_142 : i32
      %ne3A_144 = arith.constant 0 : i32
      %ne3A_145 = arith.cmpi ne, %rem3A_143, %ne3A_144 : i32
      %lt3A_146 = arith.constant 0 : i32
      %lt3A_147 = arith.cmpi slt, %rem3A_143, %lt3A_146 : i32
      %lt3A_148 = arith.constant 0 : i32
      %lt3A_149 = arith.cmpi slt, %select_n3A_142, %lt3A_148 : i32
      %ne3A_150 = arith.xori %lt3A_147, %lt3A_149 : i1
      %and3A_151 = arith.andi %ne3A_150, %ne3A_145 : i1
      %add3A_152 = arith.addi %rem3A_143, %select_n3A_142 : i32
      %select_n3A_153 = arith.select %and3A_151, %add3A_152, %rem3A_143 : i32
      %add3A_154 = arith.addi %mul3A_137, %select_n3A_153 : i32
      %add3A_155 = arith.constant 5 : i32
      %add3A_156 = arith.addi %add3A_154, %add3A_155 : i32
      %mul3A_157 = arith.constant 32 : i32
      %mul3A_158 = arith.muli %add3A_156, %mul3A_157 : i32
      %dma_start3A_159 = arith.constant 0 : i32
      %dma_start3A_160 = tpu.memref_slice %arg2[%mul3A_158, %dma_start3A_159] : memref<8192x1024xf32, #tpu.memory_space<hbm>> -> memref<32x1024xf32, #tpu.memory_space<hbm>>
      %dma_start3A_161 = arith.constant 0 : i32
      %dma_start3A_162 = tpu.memref_slice %arg2[%mul3A_158, %dma_start3A_161] : memref<8192x1024xf32, #tpu.memory_space<hbm>> -> memref<32x1024xf32, #tpu.memory_space<hbm>>
      tpu.enqueue_dma source(%dma_start3A_162 : memref<32x1024xf32, #tpu.memory_space<hbm>>) target(%arg5 : memref<32x1024xf32, #tpu.memory_space<vmem>>) target_semaphore(%arg7 : memref<!tpu.dma_semaphore, #tpu.memory_space<semaphore_mem>>)
      %dma_wait3A_163 = arith.constant 0 : i32
      %dma_wait3A_164 = tpu.memref_slice %arg2[%mul3A_158, %dma_wait3A_163] : memref<8192x1024xf32, #tpu.memory_space<hbm>> -> memref<32x1024xf32, #tpu.memory_space<hbm>>
      %dma_wait3A_165 = arith.constant 0 : i32
      %dma_wait3A_166 = tpu.memref_slice %arg2[%mul3A_158, %dma_wait3A_165] : memref<8192x1024xf32, #tpu.memory_space<hbm>> -> memref<32x1024xf32, #tpu.memory_space<hbm>>
      tpu.wait_dma2 semaphore(%arg7 : memref<!tpu.dma_semaphore, #tpu.memory_space<semaphore_mem>>) src(%dma_wait3A_166 : memref<32x1024xf32, #tpu.memory_space<hbm>>) dst(%arg5 : memref<32x1024xf32, #tpu.memory_space<vmem>>)
      %mul3A_167 = arith.constant 3 : i32
      %mul3A_168 = arith.muli %arg1, %mul3A_167 : i32
      %add3A_169 = arith.constant 1 : i32
      %add3A_170 = arith.addi %mul3A_168, %add3A_169 : i32
      %jit3A_171 = arith.constant 3 : i32
      %div3A_172 = arith.divsi %add3A_170, %jit3A_171 : i32
      %sign3A_173 = arith.constant 0 : i32
      %sign3A_174 = arith.cmpi sgt, %add3A_170, %sign3A_173 : i32
      %sign3A_175 = arith.extui %sign3A_174 : i1 to i32
      %sign3A_176 = arith.constant 0 : i32
      %sign3A_177 = arith.cmpi slt, %add3A_170, %sign3A_176 : i32
      %sign3A_178 = arith.extui %sign3A_177 : i1 to i32
      %sign3A_179 = arith.subi %sign3A_175, %sign3A_178 : i32
      %sign3A_180 = arith.constant 0 : i32
      %sign3A_181 = arith.cmpi sgt, %jit3A_171, %sign3A_180 : i32
      %sign3A_182 = arith.extui %sign3A_181 : i1 to i32
      %sign3A_183 = arith.constant 0 : i32
      %sign3A_184 = arith.cmpi slt, %jit3A_171, %sign3A_183 : i32
      %sign3A_185 = arith.extui %sign3A_184 : i1 to i32
      %sign3A_186 = arith.subi %sign3A_182, %sign3A_185 : i32
      %ne3A_187 = arith.cmpi ne, %sign3A_179, %sign3A_186 : i32
      %rem3A_188 = arith.remsi %add3A_170, %jit3A_171 : i32
      %ne3A_189 = arith.constant 0 : i32
      %ne3A_190 = arith.cmpi ne, %rem3A_188, %ne3A_189 : i32
      %and3A_191 = arith.andi %ne3A_187, %ne3A_190 : i1
      %sub3A_192 = arith.constant 1 : i32
      %sub3A_193 = arith.subi %div3A_172, %sub3A_192 : i32
      %select_n3A_194 = arith.select %and3A_191, %sub3A_193, %div3A_172 : i32
      %mul3A_195 = arith.constant 8 : i32
      %mul3A_196 = arith.muli %select_n3A_194, %mul3A_195 : i32
      %jit3A_197 = arith.constant 3 : i32
      %eq3A_198 = arith.constant 0 : i32
      %eq3A_199 = arith.cmpi eq, %jit3A_197, %eq3A_198 : i32
      %jit3A_200 = arith.constant 1 : i32
      %select_n3A_201 = arith.select %eq3A_199, %jit3A_200, %jit3A_197 : i32
      %rem3A_202 = arith.remsi %add3A_170, %select_n3A_201 : i32
      %ne3A_203 = arith.constant 0 : i32
      %ne3A_204 = arith.cmpi ne, %rem3A_202, %ne3A_203 : i32
      %lt3A_205 = arith.constant 0 : i32
      %lt3A_206 = arith.cmpi slt, %rem3A_202, %lt3A_205 : i32
      %lt3A_207 = arith.constant 0 : i32
      %lt3A_208 = arith.cmpi slt, %select_n3A_201, %lt3A_207 : i32
      %ne3A_209 = arith.xori %lt3A_206, %lt3A_208 : i1
      %and3A_210 = arith.andi %ne3A_209, %ne3A_204 : i1
      %add3A_211 = arith.addi %rem3A_202, %select_n3A_201 : i32
      %select_n3A_212 = arith.select %and3A_210, %add3A_211, %rem3A_202 : i32
      %add3A_213 = arith.addi %mul3A_196, %select_n3A_212 : i32
      %add3A_214 = arith.constant 5 : i32
      %add3A_215 = arith.addi %add3A_213, %add3A_214 : i32
      %mul3A_216 = arith.constant 32 : i32
      %mul3A_217 = arith.muli %add3A_215, %mul3A_216 : i32
      %dma_start3A_218 = arith.constant 0 : i32
      %dma_start3A_219 = tpu.memref_slice %arg3[%mul3A_217, %dma_start3A_218] : memref<4096x1024xf32, #tpu.memory_space<hbm>> -> memref<32x1024xf32, #tpu.memory_space<hbm>>
      %dma_start3A_220 = arith.constant 0 : i32
      %dma_start3A_221 = tpu.memref_slice %arg3[%mul3A_217, %dma_start3A_220] : memref<4096x1024xf32, #tpu.memory_space<hbm>> -> memref<32x1024xf32, #tpu.memory_space<hbm>>
      tpu.enqueue_dma source(%arg5 : memref<32x1024xf32, #tpu.memory_space<vmem>>) target(%dma_start3A_221 : memref<32x1024xf32, #tpu.memory_space<hbm>>) target_semaphore(%arg9 : memref<!tpu.dma_semaphore, #tpu.memory_space<semaphore_mem>>)
      %dma_wait3A_222 = arith.constant 0 : i32
      %dma_wait3A_223 = tpu.memref_slice %arg3[%mul3A_103, %dma_wait3A_222] : memref<4096x1024xf32, #tpu.memory_space<hbm>> -> memref<32x1024xf32, #tpu.memory_space<hbm>>
      %dma_wait3A_224 = arith.constant 0 : i32
      %dma_wait3A_225 = tpu.memref_slice %arg3[%mul3A_103, %dma_wait3A_224] : memref<4096x1024xf32, #tpu.memory_space<hbm>> -> memref<32x1024xf32, #tpu.memory_space<hbm>>
      tpu.wait_dma2 semaphore(%arg8 : memref<!tpu.dma_semaphore, #tpu.memory_space<semaphore_mem>>) src(%arg4 : memref<32x1024xf32, #tpu.memory_space<vmem>>) dst(%dma_wait3A_225 : memref<32x1024xf32, #tpu.memory_space<hbm>>)
      %mul3A_226 = arith.constant 3 : i32
      %mul3A_227 = arith.muli %arg1, %mul3A_226 : i32
      %add3A_228 = arith.constant 2 : i32
      %add3A_229 = arith.addi %mul3A_227, %add3A_228 : i32
      %jit3A_230 = arith.constant 3 : i32
      %div3A_231 = arith.divsi %add3A_229, %jit3A_230 : i32
      %sign3A_232 = arith.constant 0 : i32
      %sign3A_233 = arith.cmpi sgt, %add3A_229, %sign3A_232 : i32
      %sign3A_234 = arith.extui %sign3A_233 : i1 to i32
      %sign3A_235 = arith.constant 0 : i32
      %sign3A_236 = arith.cmpi slt, %add3A_229, %sign3A_235 : i32
      %sign3A_237 = arith.extui %sign3A_236 : i1 to i32
      %sign3A_238 = arith.subi %sign3A_234, %sign3A_237 : i32
      %sign3A_239 = arith.constant 0 : i32
      %sign3A_240 = arith.cmpi sgt, %jit3A_230, %sign3A_239 : i32
      %sign3A_241 = arith.extui %sign3A_240 : i1 to i32
      %sign3A_242 = arith.constant 0 : i32
      %sign3A_243 = arith.cmpi slt, %jit3A_230, %sign3A_242 : i32
      %sign3A_244 = arith.extui %sign3A_243 : i1 to i32
      %sign3A_245 = arith.subi %sign3A_241, %sign3A_244 : i32
      %ne3A_246 = arith.cmpi ne, %sign3A_238, %sign3A_245 : i32
      %rem3A_247 = arith.remsi %add3A_229, %jit3A_230 : i32
      %ne3A_248 = arith.constant 0 : i32
      %ne3A_249 = arith.cmpi ne, %rem3A_247, %ne3A_248 : i32
      %and3A_250 = arith.andi %ne3A_246, %ne3A_249 : i1
      %sub3A_251 = arith.constant 1 : i32
      %sub3A_252 = arith.subi %div3A_231, %sub3A_251 : i32
      %select_n3A_253 = arith.select %and3A_250, %sub3A_252, %div3A_231 : i32
      %mul3A_254 = arith.constant 8 : i32
      %mul3A_255 = arith.muli %select_n3A_253, %mul3A_254 : i32
      %jit3A_256 = arith.constant 3 : i32
      %eq3A_257 = arith.constant 0 : i32
      %eq3A_258 = arith.cmpi eq, %jit3A_256, %eq3A_257 : i32
      %jit3A_259 = arith.constant 1 : i32
      %select_n3A_260 = arith.select %eq3A_258, %jit3A_259, %jit3A_256 : i32
      %rem3A_261 = arith.remsi %add3A_229, %select_n3A_260 : i32
      %ne3A_262 = arith.constant 0 : i32
      %ne3A_263 = arith.cmpi ne, %rem3A_261, %ne3A_262 : i32
      %lt3A_264 = arith.constant 0 : i32
      %lt3A_265 = arith.cmpi slt, %rem3A_261, %lt3A_264 : i32
      %lt3A_266 = arith.constant 0 : i32
      %lt3A_267 = arith.cmpi slt, %select_n3A_260, %lt3A_266 : i32
      %ne3A_268 = arith.xori %lt3A_265, %lt3A_267 : i1
      %and3A_269 = arith.andi %ne3A_268, %ne3A_263 : i1
      %add3A_270 = arith.addi %rem3A_261, %select_n3A_260 : i32
      %select_n3A_271 = arith.select %and3A_269, %add3A_270, %rem3A_261 : i32
      %add3A_272 = arith.addi %mul3A_255, %select_n3A_271 : i32
      %add3A_273 = arith.constant 5 : i32
      %add3A_274 = arith.addi %add3A_272, %add3A_273 : i32
      %mul3A_275 = arith.constant 32 : i32
      %mul3A_276 = arith.muli %add3A_274, %mul3A_275 : i32
      %dma_start3A_277 = arith.constant 0 : i32
      %dma_start3A_278 = tpu.memref_slice %arg2[%mul3A_276, %dma_start3A_277] : memref<8192x1024xf32, #tpu.memory_space<hbm>> -> memref<32x1024xf32, #tpu.memory_space<hbm>>
      %dma_start3A_279 = arith.constant 0 : i32
      %dma_start3A_280 = tpu.memref_slice %arg2[%mul3A_276, %dma_start3A_279] : memref<8192x1024xf32, #tpu.memory_space<hbm>> -> memref<32x1024xf32, #tpu.memory_space<hbm>>
      tpu.enqueue_dma source(%dma_start3A_280 : memref<32x1024xf32, #tpu.memory_space<hbm>>) target(%arg4 : memref<32x1024xf32, #tpu.memory_space<vmem>>) target_semaphore(%arg6 : memref<!tpu.dma_semaphore, #tpu.memory_space<semaphore_mem>>)
      %dma_wait3A_281 = arith.constant 0 : i32
      %dma_wait3A_282 = tpu.memref_slice %arg2[%mul3A_276, %dma_wait3A_281] : memref<8192x1024xf32, #tpu.memory_space<hbm>> -> memref<32x1024xf32, #tpu.memory_space<hbm>>
      %dma_wait3A_283 = arith.constant 0 : i32
      %dma_wait3A_284 = tpu.memref_slice %arg2[%mul3A_276, %dma_wait3A_283] : memref<8192x1024xf32, #tpu.memory_space<hbm>> -> memref<32x1024xf32, #tpu.memory_space<hbm>>
      tpu.wait_dma2 semaphore(%arg6 : memref<!tpu.dma_semaphore, #tpu.memory_space<semaphore_mem>>) src(%dma_wait3A_284 : memref<32x1024xf32, #tpu.memory_space<hbm>>) dst(%arg4 : memref<32x1024xf32, #tpu.memory_space<vmem>>)
      %mul3A_285 = arith.constant 3 : i32
      %mul3A_286 = arith.muli %arg1, %mul3A_285 : i32
      %add3A_287 = arith.constant 2 : i32
      %add3A_288 = arith.addi %mul3A_286, %add3A_287 : i32
      %jit3A_289 = arith.constant 3 : i32
      %div3A_290 = arith.divsi %add3A_288, %jit3A_289 : i32
      %sign3A_291 = arith.constant 0 : i32
      %sign3A_292 = arith.cmpi sgt, %add3A_288, %sign3A_291 : i32
      %sign3A_293 = arith.extui %sign3A_292 : i1 to i32
      %sign3A_294 = arith.constant 0 : i32
      %sign3A_295 = arith.cmpi slt, %add3A_288, %sign3A_294 : i32
      %sign3A_296 = arith.extui %sign3A_295 : i1 to i32
      %sign3A_297 = arith.subi %sign3A_293, %sign3A_296 : i32
      %sign3A_298 = arith.constant 0 : i32
      %sign3A_299 = arith.cmpi sgt, %jit3A_289, %sign3A_298 : i32
      %sign3A_300 = arith.extui %sign3A_299 : i1 to i32
      %sign3A_301 = arith.constant 0 : i32
      %sign3A_302 = arith.cmpi slt, %jit3A_289, %sign3A_301 : i32
      %sign3A_303 = arith.extui %sign3A_302 : i1 to i32
      %sign3A_304 = arith.subi %sign3A_300, %sign3A_303 : i32
      %ne3A_305 = arith.cmpi ne, %sign3A_297, %sign3A_304 : i32
      %rem3A_306 = arith.remsi %add3A_288, %jit3A_289 : i32
      %ne3A_307 = arith.constant 0 : i32
      %ne3A_308 = arith.cmpi ne, %rem3A_306, %ne3A_307 : i32
      %and3A_309 = arith.andi %ne3A_305, %ne3A_308 : i1
      %sub3A_310 = arith.constant 1 : i32
      %sub3A_311 = arith.subi %div3A_290, %sub3A_310 : i32
      %select_n3A_312 = arith.select %and3A_309, %sub3A_311, %div3A_290 : i32
      %mul3A_313 = arith.constant 8 : i32
      %mul3A_314 = arith.muli %select_n3A_312, %mul3A_313 : i32
      %jit3A_315 = arith.constant 3 : i32
      %eq3A_316 = arith.constant 0 : i32
      %eq3A_317 = arith.cmpi eq, %jit3A_315, %eq3A_316 : i32
      %jit3A_318 = arith.constant 1 : i32
      %select_n3A_319 = arith.select %eq3A_317, %jit3A_318, %jit3A_315 : i32
      %rem3A_320 = arith.remsi %add3A_288, %select_n3A_319 : i32
      %ne3A_321 = arith.constant 0 : i32
      %ne3A_322 = arith.cmpi ne, %rem3A_320, %ne3A_321 : i32
      %lt3A_323 = arith.constant 0 : i32
      %lt3A_324 = arith.cmpi slt, %rem3A_320, %lt3A_323 : i32
      %lt3A_325 = arith.constant 0 : i32
      %lt3A_326 = arith.cmpi slt, %select_n3A_319, %lt3A_325 : i32
      %ne3A_327 = arith.xori %lt3A_324, %lt3A_326 : i1
      %and3A_328 = arith.andi %ne3A_327, %ne3A_322 : i1
      %add3A_329 = arith.addi %rem3A_320, %select_n3A_319 : i32
      %select_n3A_330 = arith.select %and3A_328, %add3A_329, %rem3A_320 : i32
      %add3A_331 = arith.addi %mul3A_314, %select_n3A_330 : i32
      %add3A_332 = arith.constant 5 : i32
      %add3A_333 = arith.addi %add3A_331, %add3A_332 : i32
      %mul3A_334 = arith.constant 32 : i32
      %mul3A_335 = arith.muli %add3A_333, %mul3A_334 : i32
      %dma_start3A_336 = arith.constant 0 : i32
      %dma_start3A_337 = tpu.memref_slice %arg3[%mul3A_335, %dma_start3A_336] : memref<4096x1024xf32, #tpu.memory_space<hbm>> -> memref<32x1024xf32, #tpu.memory_space<hbm>>
      %dma_start3A_338 = arith.constant 0 : i32
      %dma_start3A_339 = tpu.memref_slice %arg3[%mul3A_335, %dma_start3A_338] : memref<4096x1024xf32, #tpu.memory_space<hbm>> -> memref<32x1024xf32, #tpu.memory_space<hbm>>
      tpu.enqueue_dma source(%arg4 : memref<32x1024xf32, #tpu.memory_space<vmem>>) target(%dma_start3A_339 : memref<32x1024xf32, #tpu.memory_space<hbm>>) target_semaphore(%arg8 : memref<!tpu.dma_semaphore, #tpu.memory_space<semaphore_mem>>)
      %dma_wait3A_340 = arith.constant 0 : i32
      %dma_wait3A_341 = tpu.memref_slice %arg3[%mul3A_217, %dma_wait3A_340] : memref<4096x1024xf32, #tpu.memory_space<hbm>> -> memref<32x1024xf32, #tpu.memory_space<hbm>>
      %dma_wait3A_342 = arith.constant 0 : i32
      %dma_wait3A_343 = tpu.memref_slice %arg3[%mul3A_217, %dma_wait3A_342] : memref<4096x1024xf32, #tpu.memory_space<hbm>> -> memref<32x1024xf32, #tpu.memory_space<hbm>>
      tpu.wait_dma2 semaphore(%arg9 : memref<!tpu.dma_semaphore, #tpu.memory_space<semaphore_mem>>) src(%arg5 : memref<32x1024xf32, #tpu.memory_space<vmem>>) dst(%dma_wait3A_343 : memref<32x1024xf32, #tpu.memory_space<hbm>>)
      %dma_wait3A_344 = arith.constant 0 : i32
      %dma_wait3A_345 = tpu.memref_slice %arg3[%mul3A_335, %dma_wait3A_344] : memref<4096x1024xf32, #tpu.memory_space<hbm>> -> memref<32x1024xf32, #tpu.memory_space<hbm>>
      %dma_wait3A_346 = arith.constant 0 : i32
      %dma_wait3A_347 = tpu.memref_slice %arg3[%mul3A_335, %dma_wait3A_346] : memref<4096x1024xf32, #tpu.memory_space<hbm>> -> memref<32x1024xf32, #tpu.memory_space<hbm>>
      tpu.wait_dma2 semaphore(%arg8 : memref<!tpu.dma_semaphore, #tpu.memory_space<semaphore_mem>>) src(%arg4 : memref<32x1024xf32, #tpu.memory_space<vmem>>) dst(%dma_wait3A_347 : memref<32x1024xf32, #tpu.memory_space<hbm>>)
    } else {
    }
    return
  }
}

</mosaic_0001>

<sc_bundles>
// kernel: kernel.3.cloned.1.call-start
scs
__scs_entry_jumppad:
0x0: {  	(pc) =	sbr.rel $0x88, $3  }
0x1: {  	(tag) =	ssettag $0x0;
	lr =	simm.s32 $0x1  }
0x2: {  	[smem:$0x3FA0] =	sst lr;
	_ =	strace $0xD0000000  }
0x3: {  	_ = 	snop  }
0x4: {  	_ = 	snop  }
0x5: {  	_ = 	snop  }
0x6: {  	_ = 	snop  }
0x7: {  	_ = 	snop  }
__scs_overlays_trampoline_lowered:
0x8: {  	[smem:$0x3FAF] =	sst s0  }
0x9: {  	[smem:$0x3FB0] =	sst s1  }
0xa: {  	[smem:$0x3FB1] =	sst s2  }
0xb: {  	[smem:$0x3FB2] =	sst s3  }
0xc: {  	[smem:$0x3FB3] =	sst s4  }
0xd: {  	[smem:$0x3FB4] =	sst s5  }
0xe: {  	[smem:$0x3FB5] =	sst s6  }
0xf: {  	[smem:$0x3FB6] =	sst s7  }
0x10: {  	[smem:$0x3FB7] =	sst s8  }
0x11: {  	[smem:$0x3FB8] =	sst s9;
	s0 =	simm.s32 @!p0 $0x0  }
0x12: {  	s1 =	sld [smem:$0x3F9E];
	s0 =	simm.s32 @p0 $0x1  }
0x13: {  	[smem:$0x3FB9] =	sst s0;
	s0 =	simm.s32 @!p1 $0x0  }
0x14: {  	s2 =	sld [smem:$0x3F9D];
	s0 =	simm.s32 @p1 $0x1  }
0x15: {  	[smem:$0x3FBA] =	sst s0;
	s0 =	simm.s32 @!p2 $0x0  }
0x16: {  	s3 =	sld [smem:$0x3FDB];
	s0 =	simm.s32 @p2 $0x1  }
0x17: {  	s4 =	simm.s32 $0x1BF5;
	[smem:$0x3FBC] =	sst s0  }
0x18: {  	s0 =	sld [smem:$0x3F9F];
	_ =	swait.ge [sflag:s4], $0x0  }
0x19: {  	s7 =	sld [smem:$0x3FA0]  }
0x1a: {  	s8 =	sadd.s32 $0xFFFFE003, lr  }
0x1b: {  	s9 =	sadd.s32 $0xFFFFFEF7, lr;
	s5 =	simm.s32 $0xFFFFFFFF;
	p2 =	slt.u32 s8, $0xFFFFF086  }
0x1c: {  	p1 =	slt.u32 s9, $0xF7A;
	s5 =	simm.s32 @!p2 $0x0  }
0x1d: {  	s5 =	simm.s32 @p1 $0x1;
	p0 =	seq.s32 s7, s2  }
0x1e: {  	s7 =	smul.u32 @!p0 $0xF7A, s2;
	p2 =	seq.s32 @!p0 s5, $0x0  }
0x1f: {  	s9 =	smul.u32 $0xF7A, s1;
	s8 =	simm.s32 @!p0 $0x1BF5;
	p2 =	por !p2, p0  }
0x20: {  	[sflag:s8] =	ssyncset.s32 @!p0 $0xFFFFF086;
	s6 =	sadd.s32 @!p0 s3, s7;
	s7 =	simm.s32 @!p0 $0x108  }
0x21: {  	s3 =	sadd.s32 s3, s9;
	s6 =	sadd.s32 @!p0 $0x88, s6;
	s7 =	simm.s32 @p2 $0x1082  }
0x22: {  	[simem:s7], [sflag:s8] =	dma.local @!p0 [hbm:s6], $0xF7A  }
0x23: {  	s9 =	sor.u32 $0xD0000000, s2;
	s6 =	simm.s32 $0x108;
	_ =	swait.ge @!p0 [sflag:s8], $0x0  }
0x24: {  	s3 =	sadd.s32 $0x88, s3;
	s6 =	simm.s32 @!p1 $0x1082;
	[sflag:s4] =	ssyncset.s32 $0xFFFFF086  }
0x25: {  	[simem:s6], [sflag:s4] =	dma.local [hbm:s3], $0xF7A  }
0x26: {  	[smem:$0x3FA0] =	sst s1;
	(tag) =	ssettag s2;
	_ =	strace s9  }
0x27: {  	s1 =	sld [smem:$0x3FB0]  }
0x28: {  	s2 =	sld [smem:$0x3FB1]  }
0x29: {  	s4 =	sld [smem:$0x3FB3]  }
0x2a: {  	p0 =	seq.s32 s5, $0x0;
	s5 =	sld [smem:$0x3FB4]  }
0x2b: {  	s6 =	sld [smem:$0x3FB5]  }
0x2c: {  	s7 =	sld [smem:$0x3FB6]  }
0x2d: {  	s3 =	simm.s32 $0x108;
	s8 =	sld [smem:$0x3FB7]  }
0x2e: {  	s3 =	simm.s32 @!p0 $0x1082;
	s9 =	sld [smem:$0x3FB8]  }
0x2f: {  	lr =	sadd.s32 s0, s3;
	s0 =	sld [smem:$0x3FAF]  }
0x30: {  	s3 =	sld [smem:$0x3FB2]  }
0x31: {  	[smem:$0x3FBB] =	sst s10  }
0x32: {  	s10 =	sld [smem:$0x3FB9];
	_ =	sdelay $0x3  }
0x33: {  	p0 =	seq.s32 s10, $0x1;
	s10 =	sld [smem:$0x3FBB];
	_ =	sdelay $0x3  }
0x34: {  	[smem:$0x3FBB] =	sst s10  }
0x35: {  	s10 =	sld [smem:$0x3FBA];
	_ =	sdelay $0x3  }
0x36: {  	p1 =	seq.s32 s10, $0x1;
	s10 =	sld [smem:$0x3FBB];
	_ =	sdelay $0x3  }
0x37: {  	[smem:$0x3FBB] =	sst s10  }
0x38: {  	s10 =	sld [smem:$0x3FBC]  }
0x39: {  	_ = 	snop;
	(pc) =	sbr.ind lr, $3  }
0x3a: {  	_ = 	snop  }
0x3b: {  	_ = 	snop  }
0x3c: {  	p2 =	seq.s32 s10, $0x1;
	s10 =	sld [smem:$0x3FBB]  }
0x3d: {  	_ =	shalt  }
0x3e: {  	_ =	shalt  }
0x3f: {  	_ =	shalt  }
0x40: {  	_ =	shalt  }
0x41: {  	_ =	shalt  }
0x42: {  	_ =	shalt  }
0x43: {  	_ =	shalt  }
0x44: {  	_ =	shalt  }
0x45: {  	_ =	shalt  }
0x46: {  	_ =	shalt  }
0x47: {  	_ =	shalt  }
0x48: {  	_ =	shalt  }
0x49: {  	_ =	shalt  }
0x4a: {  	_ =	shalt  }
0x4b: {  	_ =	shalt  }
0x4c: {  	_ =	shalt  }
0x4d: {  	_ =	shalt  }
0x4e: {  	_ =	shalt  }
0x4f: {  	_ =	shalt  }
0x50: {  	_ =	shalt  }
0x51: {  	_ =	shalt  }
0x52: {  	_ =	shalt  }
0x53: {  	_ =	shalt  }
0x54: {  	_ =	shalt  }
0x55: {  	_ =	shalt  }
0x56: {  	_ =	shalt  }
0x57: {  	_ =	shalt  }
0x58: {  	_ =	shalt  }
0x59: {  	_ =	shalt  }
0x5a: {  	_ =	shalt  }
0x5b: {  	_ =	shalt  }
0x5c: {  	_ =	shalt  }
0x5d: {  	_ =	shalt  }
0x5e: {  	_ =	shalt  }
0x5f: {  	_ =	shalt  }
0x60: {  	_ =	shalt  }
0x61: {  	_ =	shalt  }
0x62: {  	_ =	shalt  }
0x63: {  	_ =	shalt  }
0x64: {  	_ =	shalt  }
0x65: {  	_ =	shalt  }
0x66: {  	_ =	shalt  }
0x67: {  	_ =	shalt  }
0x68: {  	_ =	shalt  }
0x69: {  	_ =	shalt  }
0x6a: {  	_ =	shalt  }
0x6b: {  	_ =	shalt  }
0x6c: {  	_ =	shalt  }
0x6d: {  	_ =	shalt  }
0x6e: {  	_ =	shalt  }
0x6f: {  	_ =	shalt  }
0x70: {  	_ =	shalt  }
0x71: {  	_ =	shalt  }
0x72: {  	_ =	shalt  }
0x73: {  	_ =	shalt  }
0x74: {  	_ =	shalt  }
0x75: {  	_ =	shalt  }
0x76: {  	_ =	shalt  }
0x77: {  	_ =	shalt  }
0x78: {  	_ =	shalt  }
0x79: {  	_ =	shalt  }
0x7a: {  	_ =	shalt  }
0x7b: {  	_ =	shalt  }
0x7c: {  	_ =	shalt  }
0x7d: {  	_ =	shalt  }
0x7e: {  	_ =	shalt  }
0x7f: {  	_ =	shalt  }
0x80: {  	_ =	shalt  }
0x81: {  	_ =	shalt  }
0x82: {  	_ =	shalt  }
0x83: {  	_ =	shalt  }
0x84: {  	_ =	shalt  }
0x85: {  	_ =	shalt  }
0x86: {  	_ =	shalt  }
0x87: {  	_ =	shalt  }
.Lfunc_end0:
.L_simem_size_0:
called_computation_lowered:
.L_overlay_start_0:
0x88: {  	s2 =	sld [smem:$0x3FD9]  }
0x89: {  	s3 =	sld [smem:$0x3FFE];
	_ =	sdelay $0x1  }
0x8a: {  	s1 =	srdreg.scid  }
0x8b: {  	s0 =	sand.u32 $0x1, s1  }
0x8c: {  	s18 =	sshll.u32 s0, $0xA;
	s2 =	sadd.s32 s3, s2  }
0x8d: {  	s2 =	sadd.s32 s2, s18  }
0x8e: {  	[smem:$0x3FC7] =	sst s2  }
0x8f: {  	_ = 	snop  }
0x90: {  	s2 =	sld [smem:$0x3FC9]  }
0x91: {  	s19 =	sld [smem:$0x3FD0];
	(tm) =	ssettm $0x1  }
0x92: {  	s4 =	sld [smem:$0x3FFB];
	_ =	sdelay $0x3  }
0x93: {  	_ =	strace s4  }
0x94: {  	s4 =	sld [smem:$0x3FFC];
	_ =	sdelay $0x3  }
0x95: {  	_ =	strace s4  }
0x96: {  	s4 =	sld [smem:$0x3FFD];
	_ =	sdelay $0x3  }
0x97: {  	_ =	strace s4  }
0x98: {  	_ =	strace $0x8FFFFFFF  }
0x99: {  	s20 =	sld [smem:$0x3FDB];
	_ =	sdelay $0x1  }
0x9a: {  	s5 =	simm.s32 $_scs_section_size  }
0x9b: {  	s6 =	simm.s32 $_size__tile_overlayer_lowered;
	s7 =	simm.s32 $_tile_overlayer_lowered  }
0x9c: {  	s23 =	simm.s32 $0x1BFF;
	s22 =	sshll.u32 s7, $0x1;
	s4 =	sadd.s32 s5, s20  }
0x9d: {  	s8 =	simm.s32 $0x0;
	s21 =	sshll.u32 s6, $0x1;
	s6 =	sadd.s32 s22, s4  }
0x9e: {  	[timem:s8], [sflag:s23] =	dma.local [hbm:s6], s21  }
0x9f: {  	_ =	swait.ge [sflag:s23], s21  }
0xa0: {  	s5 =	ssub.s32 $0x0, s21;
	[sflag:s23] =	ssyncset.done $0x0  }
0xa1: {  	[sflag:s23] =	ssyncadd.s32 s5;
	_ =	sdelay $0x1  }
0xa2: {  	s24 =	simm.s32 $0x1B8B  }
0xa3: {  	_ =	swait.ge [sflag:s24], $0x1  }
0xa4: {  	[sflag:s24] =	ssyncset.done $0x0  }
0xa5: {  	s25 =	simm.s32 $0x1B8E;
	[sflag:s24] =	ssyncadd.s32 $0xFFFFFFFF  }
0xa6: {  	s26 =	simm.s32 $execute0_lowered;
	[smem:$0x3FD2] =	sst s25  }
0xa7: {  	s5 =	sshll.u32 s26, $0x1;
	_ =	strace $0x80000046;
	[dreg:$0x1] =	wrdreg $0xFFFFFFFF  }
0xa8: {  	s28 =	simm.s32 $_size_execute0_lowered;
	s4 =	sadd.s32 s4, s5;
	[dreg:$0x0] =	wrdreg $0x0  }
0xa9: {  	s5 =	sshll.u32 s28, $0x1;
	[dreg:$0x2] =	wrdreg s4  }
0xaa: {  	[dreg:$0x3] =	wrdreg s5  }
0xab: {  	[dreg:$0x4] =	wrdreg $0xC0  }
0xac: {  	_ =	task [dreg:s8], $0x5FFFF  }
0xad: {  	[dreg:$0x1] =	wrdreg $0xFFFFFFFF  }
0xae: {  	[dreg:$0x0] =	wrdreg $0x60  }
0xaf: {  	[dreg:$0x2] =	wrdreg s2  }
0xb0: {  	[dreg:$0x3] =	wrdreg s19  }
0xb1: {  	[dreg:$0x4] =	wrdreg $0x9  }
0xb2: {  	_ =	task.clear_ibuf [dreg:s8], $0x5FFFF;
	_ =	strace $0x90000046  }
0xb3: {  	s29 =	simm.s32 $0x9;
	_ =	strace $0x80000048  }
0xb4: {  	_ =	swait.ge [sflag:s29], $0x1  }
0xb5: {  	[sflag:s29] =	ssyncadd.s32 $0xFFFFFFFF  }
0xb6: {  	_ =	strace $0x90000048  }
0xb7: {  	_ =	sfence  }
0xb8: {  	s30 =	sld [smem:$0x0];
	_ =	sdelay $0x2  }
0xb9: {  	s31 =	sshll.u32 s1, $0xD;
	s1 =	sshrl.u32 s1, $0x2  }
0xba: {  	s3 =	sand.u32 $0x4000, s31;
	s1 =	sadd.s32 s1, s30  }
0xbb: {  	s0 =	sor.u32 s3, s0;
	s1 =	sshll.u32 s1, $0x11  }
0xbc: {  	s0 =	sor.u32 s1, s0  }
0xbd: {  	s0 =	sadd.s32 $0x8F2B, s0  }
0xbe: {  	[sflag:s0] =	ssyncadd.remote.s32 $0x1  }
0xbf: {  	_ =	sfence.sel $0xFFFF  }
0xc0: {  	[dreg:$0x0] =	wrdreg $0xFFFFFFFF;
	(pc) =	sbr.abs _section_cstart, $3  }
0xc1: {  	[dreg:$0x1] =	wrdreg $0xFFFFFFFF  }
0xc2: {  	_ =	task.clear_ibuf [dreg:s8], $0x2FFFF;
	_ =	strace $0x9FFFFFFF  }
0xc3: {  	(tm) =	ssettm $0x7FFFFFFF  }
tec
execute0_lowered:
.L_overlay_start_1:
0x0: {  	(tag) =	ssettag $0x1  }
0x1: {  	s3 =	rddreg [dreg:$0x0]  }
0x2: {  	s0 =	stileid.u32;
	s11 =	rddreg [dreg:$0x1]  }
0x3: {  	s1 =	rddreg [dreg:$0x2];
	s4 =	srdreg.scid;
	s2 =	simm.s32 $0x0  }
0x4: {  	p1 =	por $0x0, $0x0;
	s6 =	smul.u32 $0x401, s0;
	s4 =	sand.u32 $0x1, s4  }
0x5: {  	s8 =	smul.u32 $0x5, s0;
	[smem:$0x7FF] =	sst s2;
	s12 =	sshll.u32 s0, $0xF  }
0x6: {  	s13 =	sshll.u32 s0, $0x12;
	s22 =	smul.u32 $0x3, s0;
	s7 =	ssub.s32 $0x2, s4  }
0x7: {  	_ =	strace $0x80000047;
	p0 =	seq.s32 s4, $0x1;
	s5 =	sadd.s32 $0xCD, s6  }
0x8: {  	s9 =	sshrl.u32 s7, $0x1;
	s18 =	sadd.s32 $0x19A, s6;
	s6 =	sadd.s32 $0x267, s6  }
0x9: {  	s5 =	sshrl.u32 s5, $0xA;
	s19 =	sshrl.u32 s18, $0xA;
	s18 =	smul.u32 $0x102, s0  }
0xa: {  	s16 =	sadd.s32 $0x4, s8;
	s24 =	sadd.s32 $0x2, s22;
	s5 =	smul.u32 $0x5, s5  }
0xb: {  	s10 =	ssub.s32 s7, s9;
	s6 =	sshrl.u32 s6, $0xA;
	s7 =	smul.u32 $0x5, s19  }
0xc: {  	s15 =	smul.u32 $0x5, s6;
	s29 =	smax.u32 s10, $0x1;
	s18 =	sadd.s32 $0x56, s18  }
0xd: {  	s31 =	sadd.s32 $0xFFFFFFFF, s29;
	s17 =	ssub.s32 s8, s5;
	s5 =	sadd.s32 s3, s12  }
0xe: {  	s7 =	ssub.s32 s8, s7;
	s8 =	ssub.s32 s8, s15;
	s18 =	sshrl.u32 s18, $0x8  }
0xf: {  	p2 =	sne.s32 s31, $0x0;
	s4 =	sadd.s32 $0x1, s17;
	s17 =	smul.u32 $0xCD, s16  }
0x10: {  	s7 =	sadd.s32 $0x2, s7;
	s19 =	sadd.s32 $0x3, s8;
	s25 =	smul.u32 $0x3, s18  }
0x11: {  	s20 =	sand.u32 $0xFF, s4;
	s4 =	sadd.s32 s11, s12;
	s14 =	sand.u32 $0xFF, s7  }
0x12: {  	s19 =	sand.u32 $0xFF, s19;
	s12 =	sor.u32 $0x5000, s12;
	s9 =	sshll.u32 s20, $0xF  }
0x13: {  	s14 =	sshll.u32 s14, $0xF;
	s17 =	sshrl.u32 s17, $0xA;
	s20 =	smul.u32 $0x56, s24  }
0x14: {  	s19 =	sshll.u32 s19, $0xF;
	s9 =	sor.u32 s13, s9;
	s21 =	sor.u32 s13, s14  }
0x15: {  	s23 =	smul.u32 $0x5, s17;
	s14 =	ssub.s32 s22, s25;
	s9 =	sshrl.u32 s9, $0x3  }
0x16: {  	s26 =	sshrl.u32 s20, $0x8;
	s14 =	sadd.s32 $0x1, s14;
	s20 =	sadd.s32 s3, s12  }
0x17: {  	s7 =	sadd.s32 s3, s9;
	s6 =	sadd.s32 s11, s9;
	s9 =	sshrl.u32 s21, $0x3  }
0x18: {  	s15 =	ssub.s32 s16, s23;
	s18 =	smul.u32 $0x3, s26;
	s21 =	sor.u32 s13, s19  }
0x19: {  	s14 =	sand.u32 $0xFF, s14;
	s19 =	sadd.s32 s11, s12;
	s8 =	sadd.s32 s3, s9  }
0x1a: {  	s15 =	sand.u32 $0xFF, s15;
	s9 =	sadd.s32 s11, s9;
	s14 =	sshll.u32 s14, $0xF  }
0x1b: {  	s15 =	sshll.u32 s15, $0xF;
	s28 =	ssub.s32 s24, s18;
	s18 =	simm.s32 $0x2  }
0x1c: {  	s15 =	sor.u32 s13, s15;
	s16 =	sand.u32 $0xFF, s28;
	s13 =	sor.u32 $0x28000, s13  }
.Ltmp0:
0x1d: {  	s16 =	sshll.u32 s16, $0xF;
	s12 =	sadd.s32 s14, s13;
	(pc) =	sbr.rel @!p2 .LBB2_3-.Ltmp0, $4  }
0x1e: {  	s14 =	simm.s32 $0x1;
	s16 =	sadd.s32 s16, s13;
	s21 =	smov.u32 @p0 s12  }
0x1f: {  	s13 =	simm.s32 $0x4;
	s15 =	smov.u32 @p0 s16;
	s17 =	sshrl.u32 s21, $0x3  }
0x20: {  	s16 =	simm.s32 $0x8000;
	s30 =	sshrl.u32 s15, $0x3;
	s15 =	sadd.s32 s11, s17  }
0x21: {  	s10 =	sadd.s32 s11, s30;
	s12 =	sadd.s32 s3, s30;
	s11 =	simm.s32 $0x3  }
0x22: {  	s21 =	simm.s32 @p0 $0x0;
	s22 =	simm.s32 @p0 $0x1  }
0x23: {  	[tilespmem:s21], [sflag:$0x1] =	stream.linear.gather @p0 [hbm4b:s20+s21], $0x8000, $0x38;
	[tilespmem:$0x10000] =	vst v63  }
0x24: {  	_ =	swait.ge @p0 [sflag:s22], $0x8000  }
0x25: {  	[sflag:s22] =	ssyncset.done @p0 $0x0  }
0x26: {  	[sflag:s22] =	ssyncadd.s32 @p0 $0xFFFF8000  }
0x27: {  	[hbm4b:s19+s21] =	stream.linear.scatter @p0 [tilespmem:s21], [sflag:$0x3], $0x8000, $0x38;
	[tilespmem:$0x10000] =	vst v63  }
0x28: {  	s23 =	simm.s32 @!p0 $0x0;
	s24 =	simm.s32 @!p0 $0x1  }
0x29: {  	[tilespmem:s23], [sflag:$0x1] =	stream.linear.gather @!p0 [hbm4b:s5+s23], $0x8000, $0x38;
	[tilespmem:$0x10000] =	vst v63  }
0x2a: {  	_ =	swait.ge @!p0 [sflag:s24], $0x8000  }
0x2b: {  	[sflag:s24] =	ssyncset.done @!p0 $0x0  }
0x2c: {  	[sflag:s24] =	ssyncadd.s32 @!p0 $0xFFFF8000  }
0x2d: {  	[hbm4b:s4+s23] =	stream.linear.scatter @!p0 [tilespmem:s23], [sflag:$0x3], $0x8000, $0x38;
	[tilespmem:$0x10000] =	vst v63  }
0x2e: {  	s25 =	simm.s32 @!p0 $0x8000;
	s26 =	simm.s32 @!p0 $0x2  }
0x2f: {  	[tilespmem:s25], [sflag:$0x2] =	stream.linear.gather @!p0 [hbm4b:s7+s23], $0x8000, $0x38;
	[tilespmem:$0x10000] =	vst v63  }
0x30: {  	_ =	swait.ge @!p0 [sflag:s26], $0x8000  }
0x31: {  	[sflag:s26] =	ssyncset.done @!p0 $0x0  }
0x32: {  	s28 =	simm.s32 @!p0 $0x3;
	[sflag:s26] =	ssyncadd.s32 @!p0 $0xFFFF8000  }
0x33: {  	[hbm4b:s6+s23] =	stream.linear.scatter @!p0 [tilespmem:s25], [sflag:$0x4], $0x8000, $0x38;
	[tilespmem:$0x10000] =	vst v63  }
0x34: {  	_ =	swait.ge @!p0 [sflag:s28], $0x8000  }
0x35: {  	[sflag:s28] =	ssyncset.done @!p0 $0x0  }
0x36: {  	[sflag:s28] =	ssyncadd.s32 @!p0 $0xFFFF8000  }
0x37: {  	[tilespmem:s23], [sflag:$0x1] =	stream.linear.gather @!p0 [hbm4b:s8+s23], $0x8000, $0x38;
	[tilespmem:$0x10000] =	vst v63  }
0x38: {  	_ =	swait.ge @!p0 [sflag:s24], $0x8000  }
0x39: {  	[sflag:s24] =	ssyncset.done @!p0 $0x0  }
0x3a: {  	s29 =	simm.s32 @!p0 $0x4;
	[sflag:s24] =	ssyncadd.s32 @!p0 $0xFFFF8000  }
0x3b: {  	[hbm4b:s9+s23] =	stream.linear.scatter @!p0 [tilespmem:s23], [sflag:$0x3], $0x8000, $0x38;
	[tilespmem:$0x10000] =	vst v63  }
0x3c: {  	_ =	swait.ge @!p0 [sflag:s29], $0x8000  }
0x3d: {  	[sflag:s29] =	ssyncset.done @!p0 $0x0  }
0x3e: {  	s30 =	sadd.s32 s3, s17;
	[sflag:s29] =	ssyncadd.s32 @!p0 $0xFFFF8000  }
0x3f: {  	[tilespmem:s16], [sflag:$0x2] =	stream.linear.gather [hbm4b:s30+s2], $0x8000, $0x38;
	[tilespmem:$0x10000] =	vst v63  }
0x40: {  	_ =	swait.ge [sflag:s18], $0x8000  }
0x41: {  	[sflag:s18] =	ssyncset.done $0x0  }
0x42: {  	[sflag:s18] =	ssyncadd.s32 $0xFFFF8000  }
0x43: {  	[hbm4b:s15+s2] =	stream.linear.scatter [tilespmem:s16], [sflag:$0x4], $0x8000, $0x38;
	[tilespmem:$0x10000] =	vst v63  }
0x44: {  	_ =	swait.ge [sflag:s11], $0x8000  }
0x45: {  	[sflag:s11] =	ssyncset.done $0x0  }
0x46: {  	[sflag:s11] =	ssyncadd.s32 $0xFFFF8000  }
0x47: {  	[tilespmem:s2], [sflag:$0x1] =	stream.linear.gather [hbm4b:s12+s2], $0x8000, $0x38;
	[tilespmem:$0x10000] =	vst v63  }
0x48: {  	_ =	swait.ge [sflag:s14], $0x8000  }
0x49: {  	s31 =	sadd.s32 $0xFFFFFFFF, s31;
	[sflag:s14] =	ssyncset.done $0x0  }
0x4a: {  	p2 =	sne.s32 s31, $0x0;
	[sflag:s14] =	ssyncadd.s32 $0xFFFF8000  }
0x4b: {  	[hbm4b:s10+s2] =	stream.linear.scatter [tilespmem:s2], [sflag:$0x3], $0x8000, $0x38;
	[tilespmem:$0x10000] =	vst v63  }
.Ltmp1:
0x4c: {  	_ =	swait.ge [sflag:s13], $0x8000;
	(pc) =	sbr.rel @!p2 .LBB2_3-.Ltmp1, $4  }
0x4d: {  	[sflag:s13] =	ssyncset.done $0x0  }
0x4e: {  	[sflag:s13] =	ssyncadd.s32 $0xFFFF8000  }
0x4f: {  	_ =	swait.ge [sflag:s11], $0x8000  }
0x50: {  	p1 =	por $0x1, $0x1;
	[sflag:s11] =	ssyncset.done $0x0  }
.LBB2_2:
0x51: {  	[sflag:s11] =	ssyncadd.s32 $0xFFFF8000  }
0x52: {  	[tilespmem:s21], [sflag:$0x1] =	stream.linear.gather @p0 [hbm4b:s20+s21], $0x8000, $0x38;
	[tilespmem:$0x10000] =	vst v63  }
0x53: {  	s31 =	sadd.s32 $0xFFFFFFFF, s31;
	_ =	swait.ge @p0 [sflag:s22], $0x8000  }
0x54: {  	p2 =	sne.s32 s31, $0x0;
	[sflag:s22] =	ssyncset.done @p0 $0x0  }
0x55: {  	[sflag:s22] =	ssyncadd.s32 @p0 $0xFFFF8000  }
0x56: {  	[hbm4b:s19+s21] =	stream.linear.scatter @p0 [tilespmem:s21], [sflag:$0x3], $0x8000, $0x38;
	[tilespmem:$0x10000] =	vst v63  }
0x57: {  	_ = 	snop  }
0x58: {  	[tilespmem:s23], [sflag:$0x1] =	stream.linear.gather @!p0 [hbm4b:s5+s23], $0x8000, $0x38;
	[tilespmem:$0x10000] =	vst v63  }
0x59: {  	_ =	swait.ge @!p0 [sflag:s24], $0x8000  }
0x5a: {  	[sflag:s24] =	ssyncset.done @!p0 $0x0  }
0x5b: {  	[sflag:s24] =	ssyncadd.s32 @!p0 $0xFFFF8000  }
0x5c: {  	[hbm4b:s4+s23] =	stream.linear.scatter @!p0 [tilespmem:s23], [sflag:$0x3], $0x8000, $0x38;
	[tilespmem:$0x10000] =	vst v63  }
0x5d: {  	_ = 	snop  }
0x5e: {  	[tilespmem:s25], [sflag:$0x2] =	stream.linear.gather @!p0 [hbm4b:s7+s23], $0x8000, $0x38;
	[tilespmem:$0x10000] =	vst v63  }
0x5f: {  	_ =	swait.ge @!p0 [sflag:s26], $0x8000  }
0x60: {  	[sflag:s26] =	ssyncset.done @!p0 $0x0  }
0x61: {  	[sflag:s26] =	ssyncadd.s32 @!p0 $0xFFFF8000  }
0x62: {  	[hbm4b:s6+s23] =	stream.linear.scatter @!p0 [tilespmem:s25], [sflag:$0x4], $0x8000, $0x38;
	[tilespmem:$0x10000] =	vst v63  }
0x63: {  	_ =	swait.ge @!p0 [sflag:s28], $0x8000  }
0x64: {  	[sflag:s28] =	ssyncset.done @!p0 $0x0  }
0x65: {  	[sflag:s28] =	ssyncadd.s32 @!p0 $0xFFFF8000  }
0x66: {  	[tilespmem:s23], [sflag:$0x1] =	stream.linear.gather @!p0 [hbm4b:s8+s23], $0x8000, $0x38;
	[tilespmem:$0x10000] =	vst v63  }
0x67: {  	_ =	swait.ge @!p0 [sflag:s24], $0x8000  }
0x68: {  	[sflag:s24] =	ssyncset.done @!p0 $0x0  }
0x69: {  	[sflag:s24] =	ssyncadd.s32 @!p0 $0xFFFF8000  }
0x6a: {  	[hbm4b:s9+s23] =	stream.linear.scatter @!p0 [tilespmem:s23], [sflag:$0x3], $0x8000, $0x38;
	[tilespmem:$0x10000] =	vst v63  }
0x6b: {  	_ =	swait.ge @!p0 [sflag:s29], $0x8000  }
0x6c: {  	[sflag:s29] =	ssyncset.done @!p0 $0x0  }
0x6d: {  	[sflag:s29] =	ssyncadd.s32 @!p0 $0xFFFF8000  }
0x6e: {  	[tilespmem:s16], [sflag:$0x2] =	stream.linear.gather [hbm4b:s30+s2], $0x8000, $0x38;
	[tilespmem:$0x10000] =	vst v63  }
0x6f: {  	_ =	swait.ge [sflag:s18], $0x8000  }
0x70: {  	[sflag:s18] =	ssyncset.done $0x0  }
0x71: {  	[sflag:s18] =	ssyncadd.s32 $0xFFFF8000  }
0x72: {  	[hbm4b:s15+s2] =	stream.linear.scatter [tilespmem:s16], [sflag:$0x4], $0x8000, $0x38;
	[tilespmem:$0x10000] =	vst v63  }
0x73: {  	_ =	swait.ge [sflag:s11], $0x8000  }
0x74: {  	[sflag:s11] =	ssyncset.done $0x0  }
0x75: {  	[sflag:s11] =	ssyncadd.s32 $0xFFFF8000  }
0x76: {  	[tilespmem:s2], [sflag:$0x1] =	stream.linear.gather [hbm4b:s12+s2], $0x8000, $0x38;
	[tilespmem:$0x10000] =	vst v63  }
0x77: {  	_ =	swait.ge [sflag:s14], $0x8000  }
0x78: {  	[sflag:s14] =	ssyncset.done $0x0  }
0x79: {  	[sflag:s14] =	ssyncadd.s32 $0xFFFF8000  }
0x7a: {  	[hbm4b:s10+s2] =	stream.linear.scatter [tilespmem:s2], [sflag:$0x3], $0x8000, $0x38;
	[tilespmem:$0x10000] =	vst v63  }
.Ltmp2:
0x7b: {  	_ =	swait.ge [sflag:s13], $0x8000;
	(pc) =	sbr.rel @p2 .LBB2_2-.Ltmp2, $4  }
0x7c: {  	[sflag:s13] =	ssyncset.done $0x0  }
0x7d: {  	[sflag:s13] =	ssyncadd.s32 $0xFFFF8000  }
0x7e: {  	_ =	swait.ge [sflag:s11], $0x8000  }
0x7f: {  	[sflag:s11] =	ssyncset.done $0x0  }
.LBB2_3:
0x80: {  	s21 =	simm.s32 @p0 $0x0;
	s22 =	simm.s32 @p0 $0x1;
	[sflag:s11] =	ssyncadd.s32 @p1 $0xFFFF8000  }
0x81: {  	[tilespmem:s21], [sflag:$0x1] =	stream.linear.gather @p0 [hbm4b:s20+s21], $0x8000, $0x38;
	[tilespmem:$0x10000] =	vst v63  }
0x82: {  	_ =	swait.ge @p0 [sflag:s22], $0x8000  }
0x83: {  	[sflag:s22] =	ssyncset.done @p0 $0x0  }
0x84: {  	[sflag:s22] =	ssyncadd.s32 @p0 $0xFFFF8000  }
0x85: {  	[hbm4b:s19+s21] =	stream.linear.scatter @p0 [tilespmem:s21], [sflag:$0x3], $0x8000, $0x38;
	[tilespmem:$0x10000] =	vst v63  }
0x86: {  	s20 =	simm.s32 @!p0 $0x1;
	s19 =	simm.s32 @!p0 $0x0  }
0x87: {  	[tilespmem:s19], [sflag:$0x1] =	stream.linear.gather @!p0 [hbm4b:s5+s19], $0x8000, $0x38;
	[tilespmem:$0x10000] =	vst v63  }
0x88: {  	_ =	swait.ge @!p0 [sflag:s20], $0x8000  }
0x89: {  	[sflag:s20] =	ssyncset.done @!p0 $0x0  }
0x8a: {  	[sflag:s20] =	ssyncadd.s32 @!p0 $0xFFFF8000  }
0x8b: {  	[hbm4b:s4+s19] =	stream.linear.scatter @!p0 [tilespmem:s19], [sflag:$0x3], $0x8000, $0x38;
	[tilespmem:$0x10000] =	vst v63  }
0x8c: {  	s5 =	simm.s32 @!p0 $0x2;
	s4 =	simm.s32 @!p0 $0x8000  }
0x8d: {  	[tilespmem:s4], [sflag:$0x2] =	stream.linear.gather @!p0 [hbm4b:s7+s19], $0x8000, $0x38;
	[tilespmem:$0x10000] =	vst v63  }
0x8e: {  	_ =	swait.ge @!p0 [sflag:s5], $0x8000  }
0x8f: {  	[sflag:s5] =	ssyncset.done @!p0 $0x0  }
0x90: {  	[sflag:s5] =	ssyncadd.s32 @!p0 $0xFFFF8000;
	s5 =	simm.s32 @!p0 $0x3  }
0x91: {  	[hbm4b:s6+s19] =	stream.linear.scatter @!p0 [tilespmem:s4], [sflag:$0x4], $0x8000, $0x38;
	[tilespmem:$0x10000] =	vst v63  }
0x92: {  	_ =	swait.ge @!p0 [sflag:s5], $0x8000  }
0x93: {  	[sflag:s5] =	ssyncset.done @!p0 $0x0  }
0x94: {  	[sflag:s5] =	ssyncadd.s32 @!p0 $0xFFFF8000  }
0x95: {  	[tilespmem:s19], [sflag:$0x1] =	stream.linear.gather @!p0 [hbm4b:s8+s19], $0x8000, $0x38;
	[tilespmem:$0x10000] =	vst v63  }
0x96: {  	_ =	swait.ge @!p0 [sflag:s20], $0x8000  }
0x97: {  	[sflag:s20] =	ssyncset.done @!p0 $0x0  }
0x98: {  	s4 =	simm.s32 @!p0 $0x4;
	[sflag:s20] =	ssyncadd.s32 @!p0 $0xFFFF8000  }
0x99: {  	[hbm4b:s9+s19] =	stream.linear.scatter @!p0 [tilespmem:s19], [sflag:$0x3], $0x8000, $0x38;
	[tilespmem:$0x10000] =	vst v63  }
0x9a: {  	_ =	swait.ge @!p0 [sflag:s4], $0x8000  }
0x9b: {  	[sflag:s4] =	ssyncset.done @!p0 $0x0  }
0x9c: {  	s3 =	sadd.s32 s3, s17;
	[sflag:s4] =	ssyncadd.s32 @!p0 $0xFFFF8000  }
0x9d: {  	[tilespmem:s16], [sflag:$0x2] =	stream.linear.gather [hbm4b:s3+s2], $0x8000, $0x38;
	[tilespmem:$0x10000] =	vst v63  }
0x9e: {  	_ =	swait.ge [sflag:s18], $0x8000  }
0x9f: {  	[sflag:s18] =	ssyncset.done $0x0  }
0xa0: {  	[sflag:s18] =	ssyncadd.s32 $0xFFFF8000  }
0xa1: {  	[hbm4b:s15+s2] =	stream.linear.scatter [tilespmem:s16], [sflag:$0x4], $0x8000, $0x38;
	[tilespmem:$0x10000] =	vst v63  }
0xa2: {  	_ =	swait.ge [sflag:s11], $0x8000  }
0xa3: {  	[sflag:s11] =	ssyncset.done $0x0  }
0xa4: {  	[sflag:s11] =	ssyncadd.s32 $0xFFFF8000  }
0xa5: {  	[tilespmem:s2], [sflag:$0x1] =	stream.linear.gather [hbm4b:s12+s2], $0x8000, $0x38;
	[tilespmem:$0x10000] =	vst v63  }
0xa6: {  	_ =	swait.ge [sflag:s14], $0x8000  }
0xa7: {  	[sflag:s14] =	ssyncset.done $0x0  }
0xa8: {  	[sflag:s14] =	ssyncadd.s32 $0xFFFF8000  }
0xa9: {  	[hbm4b:s10+s2] =	stream.linear.scatter [tilespmem:s2], [sflag:$0x3], $0x8000, $0x38;
	[tilespmem:$0x10000] =	vst v63  }
0xaa: {  	_ =	swait.ge [sflag:s13], $0x8000  }
0xab: {  	[sflag:s13] =	ssyncset.done $0x0  }
0xac: {  	[sflag:s13] =	ssyncadd.s32 $0xFFFF8000  }
0xad: {  	_ =	swait.ge [sflag:s11], $0x8000  }
0xae: {  	[sflag:s11] =	ssyncset.done $0x0  }
0xaf: {  	[sflag:s11] =	ssyncadd.s32 $0xFFFF8000  }
0xb0: {  	_ =	sfence.sel $0x180000  }
0xb1: {  	[bflag:$0x0] =	sbarrier.arrive $0xFFFF  }
0xb2: {  	p0 =	sne.s32 s0, $0x0;
	_ =	strace $0x90000047  }
0xb3: {  	s0 =	sadd.s32 @!p0 $0x100000, s1;
	[bflag:$0x2] =	sbarrier.arrive $0xFFFF  }
0xb4: {  	[sflag:s0] =	ssyncadd.tile.s32 @!p0 $0x1;
	_ =	shalt  }
.Lfunc_end2:
_tile_overlayer_lowered:
.L_overlay_start_2:
0xb5: {  	(tag) =	ssettag $0x2  }
0xb6: {  	s0 =	rddreg [dreg:$0x0];
	s2 =	stileid.u32  }
0xb7: {  	s1 =	rddreg [dreg:$0x1];
	p0 =	sne.s32 s2, $0x0  }
0xb8: {  	s3 =	rddreg [dreg:$0x2];
	[bflag:$0x3] =	sbarrier.arrive $0xFFFF;
	s2 =	simm.s32 @!p0 $0x1C05  }
0xb9: {  	[timem:s3], [sflag:s2] =	dma.local @!p0 [hbm:s0], s1  }
0xba: {  	s0 =	simm.s32 @!p0 $0x5  }
0xbb: {  	_ =	swait.ge @!p0 [sflag:s0], s1  }
0xbc: {  	s1 =	ssub.s32 @!p0 $0x0, s1;
	[sflag:s0] =	ssyncset.done @!p0 $0x0  }
0xbd: {  	[sflag:s0] =	ssyncadd.s32 @!p0 s1  }
0xbe: {  	[bflag:$0x3] =	sbarrier.arrive $0xFFFF  }
0xbf: {  	_ =	shalt  }

</sc_bundles>
